<compile_context>
chip_gen: v7x
topology: tpu7x:2x2x1
jax: 0.10.2.dev20260603
libtpu: 0.0.44.dev20260713+nightly
codegen_flags: <defaults>
</compile_context>

<pallas_src>
import jax
import jax.numpy as jnp
from jax import lax
from jax.experimental import pallas as pl
from jax.experimental.pallas import tpu as pltpu
from jax.experimental.pallas import tpu_sc as plsc

N = 100000
EMBED = 128

_info = plsc.get_sparse_core_info()
NC, NS, L = _info.num_cores, _info.num_subcores, _info.num_lanes
NW = NC * NS

RPW = 3136
C = 112
NCHUNK = RPW // C
NBUF = 7


def _body(tids_hbm, nids_hbm, ttab_hbm, ntab_hbm, out_hbm, *scratch):
  tidx = scratch[0:NBUF]
  nidx = scratch[NBUF:2 * NBUF]
  tbuf = scratch[2 * NBUF:3 * NBUF]
  isem = scratch[3 * NBUF:4 * NBUF]
  gsem = scratch[4 * NBUF:5 * NBUF]
  asem = scratch[5 * NBUF:6 * NBUF]
  wsem = scratch[6 * NBUF:7 * NBUF]
  nshared = scratch[7 * NBUF]

  sid = lax.axis_index("s")
  wid = sid * NC + lax.axis_index("c")
  base = jnp.minimum(wid * RPW, N - RPW)

  @pl.when(sid == 0)
  def _():
    pltpu.sync_copy(ntab_hbm, nshared)
  plsc.subcore_barrier()

  def issue_idx(chunk, b):
    row0 = base + chunk * C
    pltpu.async_copy(tids_hbm.at[pl.ds(row0, C)], tidx[b], isem[b])
    pltpu.async_copy(nids_hbm.at[pl.ds(row0, C)], nidx[b], isem[b])

  def wait_idx(b):
    pltpu.make_async_copy(tids_hbm.at[pl.ds(0, C)], tidx[b], isem[b]).wait()
    pltpu.make_async_copy(nids_hbm.at[pl.ds(0, C)], nidx[b], isem[b]).wait()

  def issue_tgather(b):
    pltpu.async_copy(ttab_hbm.at[tidx[b]], tbuf[b], gsem[b])

  def wait_tgather(b):
    pltpu.make_async_copy(ttab_hbm.at[pl.ds(0, C)], tbuf[b], gsem[b]).wait()

  def issue_nadd(b):
    pltpu.async_copy(nshared.at[nidx[b]], tbuf[b], asem[b], add=True)

  def wait_nadd(b):
    pltpu.make_async_copy(ntab_hbm.at[pl.ds(0, C)], tbuf[b], asem[b]).wait()

  def issue_write(chunk, b):
    row0 = base + chunk * C
    pltpu.async_copy(tbuf[b], out_hbm.at[pl.ds(row0, C)], wsem[b])

  def wait_write(b):
    pltpu.make_async_copy(tbuf[b], out_hbm.at[pl.ds(0, C)], wsem[b]).wait()

  for b in range(NBUF):
    issue_idx(b, b)
  for b in range(5):
    wait_idx(b)
    issue_tgather(b)
  for b in range(3):
    wait_tgather(b)
    issue_nadd(b)

  def loop_body(k, carry):
    for s in range(NBUF):
      i = k * NBUF + s
      b = s
      b3 = (s + 3) % NBUF
      b5 = (s + 5) % NBUF

      wait_nadd(b)
      issue_write(i, b)

      @pl.when(i + 3 < NCHUNK)
      def _():
        wait_tgather(b3)
        issue_nadd(b3)

      @pl.when(i + 5 < NCHUNK)
      def _():
        @pl.when(i >= 2)
        def _():
          wait_write(b5)
        wait_idx(b5)
        issue_tgather(b5)

      @pl.when(i + NBUF < NCHUNK)
      def _():
        issue_idx(i + NBUF, b)
    return carry

  lax.fori_loop(0, NCHUNK // NBUF, loop_body, 0)

  for b in range(NBUF):
    wait_write(b)


_mesh = plsc.VectorSubcoreMesh(core_axis_name="c", subcore_axis_name="s")

_sc_embed = pl.kernel(
    _body,
    out_type=jax.ShapeDtypeStruct((N, EMBED), jnp.float32),
    mesh=_mesh,
    scratch_types=(
        [pltpu.VMEM((C,), jnp.int32) for _ in range(2 * NBUF)]
        + [pltpu.VMEM((C, EMBED), jnp.float32) for _ in range(NBUF)]
        + [pltpu.SemaphoreType.DMA for _ in range(4 * NBUF)]
        + [pltpu.VMEM_SHARED((1000, EMBED), jnp.float32)]
    ),
)


@jax.jit
def kernel(token_ids, node_ids, token_table, node_table):
  return _sc_embed(token_ids.astype(jnp.int32), node_ids.astype(jnp.int32),
                   token_table, node_table)

# --- scband reference (transcript-rebuilt; emitter-appended) ---
"""Pipeline reference for scband-node-features-embedding-65884798320748 (READ-ONLY COPY).

The authoritative reference and input builder live on the scoring server;
editing this copy changes nothing except your own understanding.
"""

import jax, jax.numpy as jnp
import numpy as np

N_NODES = 100000
TOKEN_VOCAB = 100000
NODE_VOCAB = 1000
EMBED = 128

def setup_inputs(seed: int = 0) -> dict:
    key = jax.random.key(seed)
    k1, k2, k3, k4 = jax.random.split(key, 4)
    token_ids = jax.random.randint(k1, (N_NODES,), 0, TOKEN_VOCAB, dtype=jnp.int64) if jax.config.jax_enable_x64 else jax.random.randint(k1, (N_NODES,), 0, TOKEN_VOCAB, dtype=jnp.int32)
    node_ids = jax.random.randint(k2, (N_NODES,), 0, NODE_VOCAB, dtype=jnp.int32)
    token_table = jax.random.normal(k3, (TOKEN_VOCAB, EMBED), dtype=jnp.float32) * 0.02
    node_table = jax.random.normal(k4, (NODE_VOCAB, EMBED), dtype=jnp.float32) * 0.02
    # emulate padding_idx=0: zero out row 0 of each table (nn.Embedding padding_idx behavior)
    token_table = token_table.at[0].set(0.0)
    node_table = node_table.at[0].set(0.0)
    return {"token_ids": token_ids, "node_ids": node_ids, "token_table": token_table, "node_table": node_table}

def reference(token_ids, node_ids, token_table, node_table):
    # token_embedding = self._token_embedding(graph.ndata[TOKEN])
    token_embedding = jnp.take(token_table, token_ids, axis=0)
    # node_embedding = self._node_embedding(graph.ndata[NODE])
    node_embedding = jnp.take(node_table, node_ids, axis=0)
    return token_embedding + node_embedding

if __name__ == "__main__":
    import jax
    _d = setup_inputs()
    print(jax.jit(kernel)(*tuple(_d.values())))

</pallas_src>

<mosaic_0001>
#map = affine_map<(d0, d1) -> (0)>
#map1 = affine_map<(d0, d1) -> (0, 0)>
module attributes {stable_mosaic.version = 14 : i64} {
  func.func @_body(%arg0: i32, %arg1: i32, %arg2: memref<100000xi32, #tpu.memory_space<hbm>>, %arg3: memref<100000xi32, #tpu.memory_space<hbm>>, %arg4: memref<100000x128xf32, #tpu.memory_space<hbm>>, %arg5: memref<1000x128xf32, #tpu.memory_space<hbm>>, %arg6: memref<100000x128xf32, #tpu.memory_space<hbm>>, %arg7: memref<112xi32, #tpu.memory_space<vmem>>, %arg8: memref<112xi32, #tpu.memory_space<vmem>>, %arg9: memref<112xi32, #tpu.memory_space<vmem>>, %arg10: memref<112xi32, #tpu.memory_space<vmem>>, %arg11: memref<112xi32, #tpu.memory_space<vmem>>, %arg12: memref<112xi32, #tpu.memory_space<vmem>>, %arg13: memref<112xi32, #tpu.memory_space<vmem>>, %arg14: memref<112xi32, #tpu.memory_space<vmem>>, %arg15: memref<112xi32, #tpu.memory_space<vmem>>, %arg16: memref<112xi32, #tpu.memory_space<vmem>>, %arg17: memref<112xi32, #tpu.memory_space<vmem>>, %arg18: memref<112xi32, #tpu.memory_space<vmem>>, %arg19: memref<112xi32, #tpu.memory_space<vmem>>, %arg20: memref<112xi32, #tpu.memory_space<vmem>>, %arg21: memref<112x128xf32, #tpu.memory_space<vmem>>, %arg22: memref<112x128xf32, #tpu.memory_space<vmem>>, %arg23: memref<112x128xf32, #tpu.memory_space<vmem>>, %arg24: memref<112x128xf32, #tpu.memory_space<vmem>>, %arg25: memref<112x128xf32, #tpu.memory_space<vmem>>, %arg26: memref<112x128xf32, #tpu.memory_space<vmem>>, %arg27: memref<112x128xf32, #tpu.memory_space<vmem>>, %arg28: memref<!tpu.dma_semaphore, #tpu.memory_space<semaphore_mem>>, %arg29: memref<!tpu.dma_semaphore, #tpu.memory_space<semaphore_mem>>, %arg30: memref<!tpu.dma_semaphore, #tpu.memory_space<semaphore_mem>>, %arg31: memref<!tpu.dma_semaphore, #tpu.memory_space<semaphore_mem>>, %arg32: memref<!tpu.dma_semaphore, #tpu.memory_space<semaphore_mem>>, %arg33: memref<!tpu.dma_semaphore, #tpu.memory_space<semaphore_mem>>, %arg34: memref<!tpu.dma_semaphore, #tpu.memory_space<semaphore_mem>>, %arg35: memref<!tpu.dma_semaphore, #tpu.memory_space<semaphore_mem>>, %arg36: memref<!tpu.dma_semaphore, #tpu.memory_space<semaphore_mem>>, %arg37: memref<!tpu.dma_semaphore, #tpu.memory_space<semaphore_mem>>, %arg38: memref<!tpu.dma_semaphore, #tpu.memory_space<semaphore_mem>>, %arg39: memref<!tpu.dma_semaphore, #tpu.memory_space<semaphore_mem>>, %arg40: memref<!tpu.dma_semaphore, #tpu.memory_space<semaphore_mem>>, %arg41: memref<!tpu.dma_semaphore, #tpu.memory_space<semaphore_mem>>, %arg42: memref<!tpu.dma_semaphore, #tpu.memory_space<semaphore_mem>>, %arg43: memref<!tpu.dma_semaphore, #tpu.memory_space<semaphore_mem>>, %arg44: memref<!tpu.dma_semaphore, #tpu.memory_space<semaphore_mem>>, %arg45: memref<!tpu.dma_semaphore, #tpu.memory_space<semaphore_mem>>, %arg46: memref<!tpu.dma_semaphore, #tpu.memory_space<semaphore_mem>>, %arg47: memref<!tpu.dma_semaphore, #tpu.memory_space<semaphore_mem>>, %arg48: memref<!tpu.dma_semaphore, #tpu.memory_space<semaphore_mem>>, %arg49: memref<!tpu.dma_semaphore, #tpu.memory_space<semaphore_mem>>, %arg50: memref<!tpu.dma_semaphore, #tpu.memory_space<semaphore_mem>>, %arg51: memref<!tpu.dma_semaphore, #tpu.memory_space<semaphore_mem>>, %arg52: memref<!tpu.dma_semaphore, #tpu.memory_space<semaphore_mem>>, %arg53: memref<!tpu.dma_semaphore, #tpu.memory_space<semaphore_mem>>, %arg54: memref<!tpu.dma_semaphore, #tpu.memory_space<semaphore_mem>>, %arg55: memref<!tpu.dma_semaphore, #tpu.memory_space<semaphore_mem>>, %arg56: memref<1000x128xf32, #tpu.memory_space<vmem_shared>>) attributes {dimension_semantics = [#tpu.dimension_semantics<core_parallel>, #tpu.dimension_semantics<subcore_parallel>], iteration_bounds = array<i64: 2, 16>, scalar_prefetch = 0 : i64, scratch_operands = 50 : i64, tpu.core_type = #tpu.core_type<sc_vector_subcore>, window_params = [{transform_indices = #map}, {transform_indices = #map}, {transform_indices = #map1}, {transform_indices = #map1}, {transform_indices = #map1}]} {
    %mul3A = arith.constant 2 : i32
    %mul3A_0 = arith.muli %arg1, %mul3A : i32
    %add3A = arith.addi %mul3A_0, %arg0 : i32
    %mul3A_1 = arith.constant 3136 : i32
    %mul3A_2 = arith.muli %add3A, %mul3A_1 : i32
    %min3A = arith.constant 96864 : i32
    %min3A_3 = arith.minsi %mul3A_2, %min3A : i32
    %eq3A = arith.constant 0 : i32
    %eq3A_4 = arith.cmpi eq, %arg1, %eq3A : i32
    %convert_element_type3A = arith.extui %eq3A_4 : i1 to i32
    %cond3A = arith.constant 0 : i32
    %cond3A_5 = arith.cmpi ne, %convert_element_type3A, %cond3A : i32
    scf.if %cond3A_5 {
      "tpu.region"() ({
        %run_scoped3A = tpu.sem_alloc : memref<!tpu.dma_semaphore, #tpu.memory_space<semaphore_mem>>
        tpu.enqueue_dma source(%arg5 : memref<1000x128xf32, #tpu.memory_space<hbm>>) target(%arg56 : memref<1000x128xf32, #tpu.memory_space<vmem_shared>>) target_semaphore(%run_scoped3A : memref<!tpu.dma_semaphore, #tpu.memory_space<semaphore_mem>>)
        tpu.wait_dma2 semaphore(%run_scoped3A : memref<!tpu.dma_semaphore, #tpu.memory_space<semaphore_mem>>) src(%arg5 : memref<1000x128xf32, #tpu.memory_space<hbm>>) dst(%arg56 : memref<1000x128xf32, #tpu.memory_space<vmem_shared>>)
        tpu.yield
      }) : () -> ()
    } else {
    }
    %barrier3A = arith.constant 0 : index
    tpu.barrier barrier_id(%barrier3A)
    %add3A_6 = arith.constant 0 : i32
    %add3A_7 = arith.addi %min3A_3, %add3A_6 : i32
    %dma_start3A = tpu.memref_slice %arg2[%add3A_7] : memref<100000xi32, #tpu.memory_space<hbm>> -> memref<112xi32, #tpu.memory_space<hbm>>
    %dma_start3A_8 = tpu.memref_slice %arg2[%add3A_7] : memref<100000xi32, #tpu.memory_space<hbm>> -> memref<112xi32, #tpu.memory_space<hbm>>
    tpu.enqueue_dma source(%dma_start3A_8 : memref<112xi32, #tpu.memory_space<hbm>>) target(%arg7 : memref<112xi32, #tpu.memory_space<vmem>>) target_semaphore(%arg28 : memref<!tpu.dma_semaphore, #tpu.memory_space<semaphore_mem>>)
    %dma_start3A_9 = tpu.memref_slice %arg3[%add3A_7] : memref<100000xi32, #tpu.memory_space<hbm>> -> memref<112xi32, #tpu.memory_space<hbm>>
    %dma_start3A_10 = tpu.memref_slice %arg3[%add3A_7] : memref<100000xi32, #tpu.memory_space<hbm>> -> memref<112xi32, #tpu.memory_space<hbm>>
    tpu.enqueue_dma source(%dma_start3A_10 : memref<112xi32, #tpu.memory_space<hbm>>) target(%arg14 : memref<112xi32, #tpu.memory_space<vmem>>) target_semaphore(%arg28 : memref<!tpu.dma_semaphore, #tpu.memory_space<semaphore_mem>>)
    %add3A_11 = arith.constant 112 : i32
    %add3A_12 = arith.addi %min3A_3, %add3A_11 : i32
    %dma_start3A_13 = tpu.memref_slice %arg2[%add3A_12] : memref<100000xi32, #tpu.memory_space<hbm>> -> memref<112xi32, #tpu.memory_space<hbm>>
    %dma_start3A_14 = tpu.memref_slice %arg2[%add3A_12] : memref<100000xi32, #tpu.memory_space<hbm>> -> memref<112xi32, #tpu.memory_space<hbm>>
    tpu.enqueue_dma source(%dma_start3A_14 : memref<112xi32, #tpu.memory_space<hbm>>) target(%arg8 : memref<112xi32, #tpu.memory_space<vmem>>) target_semaphore(%arg29 : memref<!tpu.dma_semaphore, #tpu.memory_space<semaphore_mem>>)
    %dma_start3A_15 = tpu.memref_slice %arg3[%add3A_12] : memref<100000xi32, #tpu.memory_space<hbm>> -> memref<112xi32, #tpu.memory_space<hbm>>
    %dma_start3A_16 = tpu.memref_slice %arg3[%add3A_12] : memref<100000xi32, #tpu.memory_space<hbm>> -> memref<112xi32, #tpu.memory_space<hbm>>
    tpu.enqueue_dma source(%dma_start3A_16 : memref<112xi32, #tpu.memory_space<hbm>>) target(%arg15 : memref<112xi32, #tpu.memory_space<vmem>>) target_semaphore(%arg29 : memref<!tpu.dma_semaphore, #tpu.memory_space<semaphore_mem>>)
    %add3A_17 = arith.constant 224 : i32
    %add3A_18 = arith.addi %min3A_3, %add3A_17 : i32
    %dma_start3A_19 = tpu.memref_slice %arg2[%add3A_18] : memref<100000xi32, #tpu.memory_space<hbm>> -> memref<112xi32, #tpu.memory_space<hbm>>
    %dma_start3A_20 = tpu.memref_slice %arg2[%add3A_18] : memref<100000xi32, #tpu.memory_space<hbm>> -> memref<112xi32, #tpu.memory_space<hbm>>
    tpu.enqueue_dma source(%dma_start3A_20 : memref<112xi32, #tpu.memory_space<hbm>>) target(%arg9 : memref<112xi32, #tpu.memory_space<vmem>>) target_semaphore(%arg30 : memref<!tpu.dma_semaphore, #tpu.memory_space<semaphore_mem>>)
    %dma_start3A_21 = tpu.memref_slice %arg3[%add3A_18] : memref<100000xi32, #tpu.memory_space<hbm>> -> memref<112xi32, #tpu.memory_space<hbm>>
    %dma_start3A_22 = tpu.memref_slice %arg3[%add3A_18] : memref<100000xi32, #tpu.memory_space<hbm>> -> memref<112xi32, #tpu.memory_space<hbm>>
    tpu.enqueue_dma source(%dma_start3A_22 : memref<112xi32, #tpu.memory_space<hbm>>) target(%arg16 : memref<112xi32, #tpu.memory_space<vmem>>) target_semaphore(%arg30 : memref<!tpu.dma_semaphore, #tpu.memory_space<semaphore_mem>>)
    %add3A_23 = arith.constant 336 : i32
    %add3A_24 = arith.addi %min3A_3, %add3A_23 : i32
    %dma_start3A_25 = tpu.memref_slice %arg2[%add3A_24] : memref<100000xi32, #tpu.memory_space<hbm>> -> memref<112xi32, #tpu.memory_space<hbm>>
    %dma_start3A_26 = tpu.memref_slice %arg2[%add3A_24] : memref<100000xi32, #tpu.memory_space<hbm>> -> memref<112xi32, #tpu.memory_space<hbm>>
    tpu.enqueue_dma source(%dma_start3A_26 : memref<112xi32, #tpu.memory_space<hbm>>) target(%arg10 : memref<112xi32, #tpu.memory_space<vmem>>) target_semaphore(%arg31 : memref<!tpu.dma_semaphore, #tpu.memory_space<semaphore_mem>>)
    %dma_start3A_27 = tpu.memref_slice %arg3[%add3A_24] : memref<100000xi32, #tpu.memory_space<hbm>> -> memref<112xi32, #tpu.memory_space<hbm>>
    %dma_start3A_28 = tpu.memref_slice %arg3[%add3A_24] : memref<100000xi32, #tpu.memory_space<hbm>> -> memref<112xi32, #tpu.memory_space<hbm>>
    tpu.enqueue_dma source(%dma_start3A_28 : memref<112xi32, #tpu.memory_space<hbm>>) target(%arg17 : memref<112xi32, #tpu.memory_space<vmem>>) target_semaphore(%arg31 : memref<!tpu.dma_semaphore, #tpu.memory_space<semaphore_mem>>)
    %add3A_29 = arith.constant 448 : i32
    %add3A_30 = arith.addi %min3A_3, %add3A_29 : i32
    %dma_start3A_31 = tpu.memref_slice %arg2[%add3A_30] : memref<100000xi32, #tpu.memory_space<hbm>> -> memref<112xi32, #tpu.memory_space<hbm>>
    %dma_start3A_32 = tpu.memref_slice %arg2[%add3A_30] : memref<100000xi32, #tpu.memory_space<hbm>> -> memref<112xi32, #tpu.memory_space<hbm>>
    tpu.enqueue_dma source(%dma_start3A_32 : memref<112xi32, #tpu.memory_space<hbm>>) target(%arg11 : memref<112xi32, #tpu.memory_space<vmem>>) target_semaphore(%arg32 : memref<!tpu.dma_semaphore, #tpu.memory_space<semaphore_mem>>)
    %dma_start3A_33 = tpu.memref_slice %arg3[%add3A_30] : memref<100000xi32, #tpu.memory_space<hbm>> -> memref<112xi32, #tpu.memory_space<hbm>>
    %dma_start3A_34 = tpu.memref_slice %arg3[%add3A_30] : memref<100000xi32, #tpu.memory_space<hbm>> -> memref<112xi32, #tpu.memory_space<hbm>>
    tpu.enqueue_dma source(%dma_start3A_34 : memref<112xi32, #tpu.memory_space<hbm>>) target(%arg18 : memref<112xi32, #tpu.memory_space<vmem>>) target_semaphore(%arg32 : memref<!tpu.dma_semaphore, #tpu.memory_space<semaphore_mem>>)
    %add3A_35 = arith.constant 560 : i32
    %add3A_36 = arith.addi %min3A_3, %add3A_35 : i32
    %dma_start3A_37 = tpu.memref_slice %arg2[%add3A_36] : memref<100000xi32, #tpu.memory_space<hbm>> -> memref<112xi32, #tpu.memory_space<hbm>>
    %dma_start3A_38 = tpu.memref_slice %arg2[%add3A_36] : memref<100000xi32, #tpu.memory_space<hbm>> -> memref<112xi32, #tpu.memory_space<hbm>>
    tpu.enqueue_dma source(%dma_start3A_38 : memref<112xi32, #tpu.memory_space<hbm>>) target(%arg12 : memref<112xi32, #tpu.memory_space<vmem>>) target_semaphore(%arg33 : memref<!tpu.dma_semaphore, #tpu.memory_space<semaphore_mem>>)
    %dma_start3A_39 = tpu.memref_slice %arg3[%add3A_36] : memref<100000xi32, #tpu.memory_space<hbm>> -> memref<112xi32, #tpu.memory_space<hbm>>
    %dma_start3A_40 = tpu.memref_slice %arg3[%add3A_36] : memref<100000xi32, #tpu.memory_space<hbm>> -> memref<112xi32, #tpu.memory_space<hbm>>
    tpu.enqueue_dma source(%dma_start3A_40 : memref<112xi32, #tpu.memory_space<hbm>>) target(%arg19 : memref<112xi32, #tpu.memory_space<vmem>>) target_semaphore(%arg33 : memref<!tpu.dma_semaphore, #tpu.memory_space<semaphore_mem>>)
    %add3A_41 = arith.constant 672 : i32
    %add3A_42 = arith.addi %min3A_3, %add3A_41 : i32
    %dma_start3A_43 = tpu.memref_slice %arg2[%add3A_42] : memref<100000xi32, #tpu.memory_space<hbm>> -> memref<112xi32, #tpu.memory_space<hbm>>
    %dma_start3A_44 = tpu.memref_slice %arg2[%add3A_42] : memref<100000xi32, #tpu.memory_space<hbm>> -> memref<112xi32, #tpu.memory_space<hbm>>
    tpu.enqueue_dma source(%dma_start3A_44 : memref<112xi32, #tpu.memory_space<hbm>>) target(%arg13 : memref<112xi32, #tpu.memory_space<vmem>>) target_semaphore(%arg34 : memref<!tpu.dma_semaphore, #tpu.memory_space<semaphore_mem>>)
    %dma_start3A_45 = tpu.memref_slice %arg3[%add3A_42] : memref<100000xi32, #tpu.memory_space<hbm>> -> memref<112xi32, #tpu.memory_space<hbm>>
    %dma_start3A_46 = tpu.memref_slice %arg3[%add3A_42] : memref<100000xi32, #tpu.memory_space<hbm>> -> memref<112xi32, #tpu.memory_space<hbm>>
    tpu.enqueue_dma source(%dma_start3A_46 : memref<112xi32, #tpu.memory_space<hbm>>) target(%arg20 : memref<112xi32, #tpu.memory_space<vmem>>) target_semaphore(%arg34 : memref<!tpu.dma_semaphore, #tpu.memory_space<semaphore_mem>>)
    %dma_wait3A = arith.constant 0 : i32
    %dma_wait3A_47 = tpu.memref_slice %arg2[%dma_wait3A] : memref<100000xi32, #tpu.memory_space<hbm>> -> memref<112xi32, #tpu.memory_space<hbm>>
    %dma_wait3A_48 = arith.constant 0 : i32
    %dma_wait3A_49 = tpu.memref_slice %arg2[%dma_wait3A_48] : memref<100000xi32, #tpu.memory_space<hbm>> -> memref<112xi32, #tpu.memory_space<hbm>>
    tpu.wait_dma2 semaphore(%arg28 : memref<!tpu.dma_semaphore, #tpu.memory_space<semaphore_mem>>) src(%dma_wait3A_49 : memref<112xi32, #tpu.memory_space<hbm>>) dst(%arg7 : memref<112xi32, #tpu.memory_space<vmem>>)
    %dma_wait3A_50 = arith.constant 0 : i32
    %dma_wait3A_51 = tpu.memref_slice %arg3[%dma_wait3A_50] : memref<100000xi32, #tpu.memory_space<hbm>> -> memref<112xi32, #tpu.memory_space<hbm>>
    %dma_wait3A_52 = arith.constant 0 : i32
    %dma_wait3A_53 = tpu.memref_slice %arg3[%dma_wait3A_52] : memref<100000xi32, #tpu.memory_space<hbm>> -> memref<112xi32, #tpu.memory_space<hbm>>
    tpu.wait_dma2 semaphore(%arg28 : memref<!tpu.dma_semaphore, #tpu.memory_space<semaphore_mem>>) src(%dma_wait3A_53 : memref<112xi32, #tpu.memory_space<hbm>>) dst(%arg14 : memref<112xi32, #tpu.memory_space<vmem>>)
    %dma_start3A_54 = arith.constant 0 : i32
    %dma_start3A_55 = arith.constant 0 : i32
    %dma_start3A_56 = tpu.memref_slice %arg4[%dma_start3A_54, %dma_start3A_55] : memref<100000x128xf32, #tpu.memory_space<hbm>> -> memref<100000x128xf32, #tpu.memory_space<hbm>>
    tpu.enqueue_indirect_dma source(%dma_start3A_56 : memref<100000x128xf32, #tpu.memory_space<hbm>>) target(%arg21 : memref<112x128xf32, #tpu.memory_space<vmem>>) offsets(%arg7 : memref<112xi32, #tpu.memory_space<vmem>>) semaphore(%arg35 : memref<!tpu.dma_semaphore, #tpu.memory_space<semaphore_mem>>)
    %dma_wait3A_57 = arith.constant 0 : i32
    %dma_wait3A_58 = tpu.memref_slice %arg2[%dma_wait3A_57] : memref<100000xi32, #tpu.memory_space<hbm>> -> memref<112xi32, #tpu.memory_space<hbm>>
    %dma_wait3A_59 = arith.constant 0 : i32
    %dma_wait3A_60 = tpu.memref_slice %arg2[%dma_wait3A_59] : memref<100000xi32, #tpu.memory_space<hbm>> -> memref<112xi32, #tpu.memory_space<hbm>>
    tpu.wait_dma2 semaphore(%arg29 : memref<!tpu.dma_semaphore, #tpu.memory_space<semaphore_mem>>) src(%dma_wait3A_60 : memref<112xi32, #tpu.memory_space<hbm>>) dst(%arg8 : memref<112xi32, #tpu.memory_space<vmem>>)
    %dma_wait3A_61 = arith.constant 0 : i32
    %dma_wait3A_62 = tpu.memref_slice %arg3[%dma_wait3A_61] : memref<100000xi32, #tpu.memory_space<hbm>> -> memref<112xi32, #tpu.memory_space<hbm>>
    %dma_wait3A_63 = arith.constant 0 : i32
    %dma_wait3A_64 = tpu.memref_slice %arg3[%dma_wait3A_63] : memref<100000xi32, #tpu.memory_space<hbm>> -> memref<112xi32, #tpu.memory_space<hbm>>
    tpu.wait_dma2 semaphore(%arg29 : memref<!tpu.dma_semaphore, #tpu.memory_space<semaphore_mem>>) src(%dma_wait3A_64 : memref<112xi32, #tpu.memory_space<hbm>>) dst(%arg15 : memref<112xi32, #tpu.memory_space<vmem>>)
    %dma_start3A_65 = arith.constant 0 : i32
    %dma_start3A_66 = arith.constant 0 : i32
    %dma_start3A_67 = tpu.memref_slice %arg4[%dma_start3A_65, %dma_start3A_66] : memref<100000x128xf32, #tpu.memory_space<hbm>> -> memref<100000x128xf32, #tpu.memory_space<hbm>>
    tpu.enqueue_indirect_dma source(%dma_start3A_67 : memref<100000x128xf32, #tpu.memory_space<hbm>>) target(%arg22 : memref<112x128xf32, #tpu.memory_space<vmem>>) offsets(%arg8 : memref<112xi32, #tpu.memory_space<vmem>>) semaphore(%arg36 : memref<!tpu.dma_semaphore, #tpu.memory_space<semaphore_mem>>)
    %dma_wait3A_68 = arith.constant 0 : i32
    %dma_wait3A_69 = tpu.memref_slice %arg2[%dma_wait3A_68] : memref<100000xi32, #tpu.memory_space<hbm>> -> memref<112xi32, #tpu.memory_space<hbm>>
    %dma_wait3A_70 = arith.constant 0 : i32
    %dma_wait3A_71 = tpu.memref_slice %arg2[%dma_wait3A_70] : memref<100000xi32, #tpu.memory_space<hbm>> -> memref<112xi32, #tpu.memory_space<hbm>>
    tpu.wait_dma2 semaphore(%arg30 : memref<!tpu.dma_semaphore, #tpu.memory_space<semaphore_mem>>) src(%dma_wait3A_71 : memref<112xi32, #tpu.memory_space<hbm>>) dst(%arg9 : memref<112xi32, #tpu.memory_space<vmem>>)
    %dma_wait3A_72 = arith.constant 0 : i32
    %dma_wait3A_73 = tpu.memref_slice %arg3[%dma_wait3A_72] : memref<100000xi32, #tpu.memory_space<hbm>> -> memref<112xi32, #tpu.memory_space<hbm>>
    %dma_wait3A_74 = arith.constant 0 : i32
    %dma_wait3A_75 = tpu.memref_slice %arg3[%dma_wait3A_74] : memref<100000xi32, #tpu.memory_space<hbm>> -> memref<112xi32, #tpu.memory_space<hbm>>
    tpu.wait_dma2 semaphore(%arg30 : memref<!tpu.dma_semaphore, #tpu.memory_space<semaphore_mem>>) src(%dma_wait3A_75 : memref<112xi32, #tpu.memory_space<hbm>>) dst(%arg16 : memref<112xi32, #tpu.memory_space<vmem>>)
    %dma_start3A_76 = arith.constant 0 : i32
    %dma_start3A_77 = arith.constant 0 : i32
    %dma_start3A_78 = tpu.memref_slice %arg4[%dma_start3A_76, %dma_start3A_77] : memref<100000x128xf32, #tpu.memory_space<hbm>> -> memref<100000x128xf32, #tpu.memory_space<hbm>>
    tpu.enqueue_indirect_dma source(%dma_start3A_78 : memref<100000x128xf32, #tpu.memory_space<hbm>>) target(%arg23 : memref<112x128xf32, #tpu.memory_space<vmem>>) offsets(%arg9 : memref<112xi32, #tpu.memory_space<vmem>>) semaphore(%arg37 : memref<!tpu.dma_semaphore, #tpu.memory_space<semaphore_mem>>)
    %dma_wait3A_79 = arith.constant 0 : i32
    %dma_wait3A_80 = tpu.memref_slice %arg2[%dma_wait3A_79] : memref<100000xi32, #tpu.memory_space<hbm>> -> memref<112xi32, #tpu.memory_space<hbm>>
    %dma_wait3A_81 = arith.constant 0 : i32
    %dma_wait3A_82 = tpu.memref_slice %arg2[%dma_wait3A_81] : memref<100000xi32, #tpu.memory_space<hbm>> -> memref<112xi32, #tpu.memory_space<hbm>>
    tpu.wait_dma2 semaphore(%arg31 : memref<!tpu.dma_semaphore, #tpu.memory_space<semaphore_mem>>) src(%dma_wait3A_82 : memref<112xi32, #tpu.memory_space<hbm>>) dst(%arg10 : memref<112xi32, #tpu.memory_space<vmem>>)
    %dma_wait3A_83 = arith.constant 0 : i32
    %dma_wait3A_84 = tpu.memref_slice %arg3[%dma_wait3A_83] : memref<100000xi32, #tpu.memory_space<hbm>> -> memref<112xi32, #tpu.memory_space<hbm>>
    %dma_wait3A_85 = arith.constant 0 : i32
    %dma_wait3A_86 = tpu.memref_slice %arg3[%dma_wait3A_85] : memref<100000xi32, #tpu.memory_space<hbm>> -> memref<112xi32, #tpu.memory_space<hbm>>
    tpu.wait_dma2 semaphore(%arg31 : memref<!tpu.dma_semaphore, #tpu.memory_space<semaphore_mem>>) src(%dma_wait3A_86 : memref<112xi32, #tpu.memory_space<hbm>>) dst(%arg17 : memref<112xi32, #tpu.memory_space<vmem>>)
    %dma_start3A_87 = arith.constant 0 : i32
    %dma_start3A_88 = arith.constant 0 : i32
    %dma_start3A_89 = tpu.memref_slice %arg4[%dma_start3A_87, %dma_start3A_88] : memref<100000x128xf32, #tpu.memory_space<hbm>> -> memref<100000x128xf32, #tpu.memory_space<hbm>>
    tpu.enqueue_indirect_dma source(%dma_start3A_89 : memref<100000x128xf32, #tpu.memory_space<hbm>>) target(%arg24 : memref<112x128xf32, #tpu.memory_space<vmem>>) offsets(%arg10 : memref<112xi32, #tpu.memory_space<vmem>>) semaphore(%arg38 : memref<!tpu.dma_semaphore, #tpu.memory_space<semaphore_mem>>)
    %dma_wait3A_90 = arith.constant 0 : i32
    %dma_wait3A_91 = tpu.memref_slice %arg2[%dma_wait3A_90] : memref<100000xi32, #tpu.memory_space<hbm>> -> memref<112xi32, #tpu.memory_space<hbm>>
    %dma_wait3A_92 = arith.constant 0 : i32
    %dma_wait3A_93 = tpu.memref_slice %arg2[%dma_wait3A_92] : memref<100000xi32, #tpu.memory_space<hbm>> -> memref<112xi32, #tpu.memory_space<hbm>>
    tpu.wait_dma2 semaphore(%arg32 : memref<!tpu.dma_semaphore, #tpu.memory_space<semaphore_mem>>) src(%dma_wait3A_93 : memref<112xi32, #tpu.memory_space<hbm>>) dst(%arg11 : memref<112xi32, #tpu.memory_space<vmem>>)
    %dma_wait3A_94 = arith.constant 0 : i32
    %dma_wait3A_95 = tpu.memref_slice %arg3[%dma_wait3A_94] : memref<100000xi32, #tpu.memory_space<hbm>> -> memref<112xi32, #tpu.memory_space<hbm>>
    %dma_wait3A_96 = arith.constant 0 : i32
    %dma_wait3A_97 = tpu.memref_slice %arg3[%dma_wait3A_96] : memref<100000xi32, #tpu.memory_space<hbm>> -> memref<112xi32, #tpu.memory_space<hbm>>
    tpu.wait_dma2 semaphore(%arg32 : memref<!tpu.dma_semaphore, #tpu.memory_space<semaphore_mem>>) src(%dma_wait3A_97 : memref<112xi32, #tpu.memory_space<hbm>>) dst(%arg18 : memref<112xi32, #tpu.memory_space<vmem>>)
    %dma_start3A_98 = arith.constant 0 : i32
    %dma_start3A_99 = arith.constant 0 : i32
    %dma_start3A_100 = tpu.memref_slice %arg4[%dma_start3A_98, %dma_start3A_99] : memref<100000x128xf32, #tpu.memory_space<hbm>> -> memref<100000x128xf32, #tpu.memory_space<hbm>>
    tpu.enqueue_indirect_dma source(%dma_start3A_100 : memref<100000x128xf32, #tpu.memory_space<hbm>>) target(%arg25 : memref<112x128xf32, #tpu.memory_space<vmem>>) offsets(%arg11 : memref<112xi32, #tpu.memory_space<vmem>>) semaphore(%arg39 : memref<!tpu.dma_semaphore, #tpu.memory_space<semaphore_mem>>)
    %dma_wait3A_101 = arith.constant 0 : i32
    %dma_wait3A_102 = arith.constant 0 : i32
    %dma_wait3A_103 = tpu.memref_slice %arg4[%dma_wait3A_101, %dma_wait3A_102] : memref<100000x128xf32, #tpu.memory_space<hbm>> -> memref<112x128xf32, #tpu.memory_space<hbm>>
    %dma_wait3A_104 = arith.constant 0 : i32
    %dma_wait3A_105 = arith.constant 0 : i32
    %dma_wait3A_106 = tpu.memref_slice %arg4[%dma_wait3A_104, %dma_wait3A_105] : memref<100000x128xf32, #tpu.memory_space<hbm>> -> memref<112x128xf32, #tpu.memory_space<hbm>>
    tpu.wait_dma2 semaphore(%arg35 : memref<!tpu.dma_semaphore, #tpu.memory_space<semaphore_mem>>) src(%dma_wait3A_106 : memref<112x128xf32, #tpu.memory_space<hbm>>) dst(%arg21 : memref<112x128xf32, #tpu.memory_space<vmem>>)
    %dma_start3A_107 = arith.constant 0 : i32
    %dma_start3A_108 = arith.constant 0 : i32
    %dma_start3A_109 = tpu.memref_slice %arg56[%dma_start3A_107, %dma_start3A_108] : memref<1000x128xf32, #tpu.memory_space<vmem_shared>> -> memref<1000x128xf32, #tpu.memory_space<vmem_shared>>
    tpu.enqueue_indirect_dma source(%dma_start3A_109 : memref<1000x128xf32, #tpu.memory_space<vmem_shared>>) target(%arg21 : memref<112x128xf32, #tpu.memory_space<vmem>>) offsets(%arg14 : memref<112xi32, #tpu.memory_space<vmem>>) semaphore(%arg42 : memref<!tpu.dma_semaphore, #tpu.memory_space<semaphore_mem>>) {add = true}
    %dma_wait3A_110 = arith.constant 0 : i32
    %dma_wait3A_111 = arith.constant 0 : i32
    %dma_wait3A_112 = tpu.memref_slice %arg4[%dma_wait3A_110, %dma_wait3A_111] : memref<100000x128xf32, #tpu.memory_space<hbm>> -> memref<112x128xf32, #tpu.memory_space<hbm>>
    %dma_wait3A_113 = arith.constant 0 : i32
    %dma_wait3A_114 = arith.constant 0 : i32
    %dma_wait3A_115 = tpu.memref_slice %arg4[%dma_wait3A_113, %dma_wait3A_114] : memref<100000x128xf32, #tpu.memory_space<hbm>> -> memref<112x128xf32, #tpu.memory_space<hbm>>
    tpu.wait_dma2 semaphore(%arg36 : memref<!tpu.dma_semaphore, #tpu.memory_space<semaphore_mem>>) src(%dma_wait3A_115 : memref<112x128xf32, #tpu.memory_space<hbm>>) dst(%arg22 : memref<112x128xf32, #tpu.memory_space<vmem>>)
    %dma_start3A_116 = arith.constant 0 : i32
    %dma_start3A_117 = arith.constant 0 : i32
    %dma_start3A_118 = tpu.memref_slice %arg56[%dma_start3A_116, %dma_start3A_117] : memref<1000x128xf32, #tpu.memory_space<vmem_shared>> -> memref<1000x128xf32, #tpu.memory_space<vmem_shared>>
    tpu.enqueue_indirect_dma source(%dma_start3A_118 : memref<1000x128xf32, #tpu.memory_space<vmem_shared>>) target(%arg22 : memref<112x128xf32, #tpu.memory_space<vmem>>) offsets(%arg15 : memref<112xi32, #tpu.memory_space<vmem>>) semaphore(%arg43 : memref<!tpu.dma_semaphore, #tpu.memory_space<semaphore_mem>>) {add = true}
    %dma_wait3A_119 = arith.constant 0 : i32
    %dma_wait3A_120 = arith.constant 0 : i32
    %dma_wait3A_121 = tpu.memref_slice %arg4[%dma_wait3A_119, %dma_wait3A_120] : memref<100000x128xf32, #tpu.memory_space<hbm>> -> memref<112x128xf32, #tpu.memory_space<hbm>>
    %dma_wait3A_122 = arith.constant 0 : i32
    %dma_wait3A_123 = arith.constant 0 : i32
    %dma_wait3A_124 = tpu.memref_slice %arg4[%dma_wait3A_122, %dma_wait3A_123] : memref<100000x128xf32, #tpu.memory_space<hbm>> -> memref<112x128xf32, #tpu.memory_space<hbm>>
    tpu.wait_dma2 semaphore(%arg37 : memref<!tpu.dma_semaphore, #tpu.memory_space<semaphore_mem>>) src(%dma_wait3A_124 : memref<112x128xf32, #tpu.memory_space<hbm>>) dst(%arg23 : memref<112x128xf32, #tpu.memory_space<vmem>>)
    %dma_start3A_125 = arith.constant 0 : i32
    %dma_start3A_126 = arith.constant 0 : i32
    %dma_start3A_127 = tpu.memref_slice %arg56[%dma_start3A_125, %dma_start3A_126] : memref<1000x128xf32, #tpu.memory_space<vmem_shared>> -> memref<1000x128xf32, #tpu.memory_space<vmem_shared>>
    tpu.enqueue_indirect_dma source(%dma_start3A_127 : memref<1000x128xf32, #tpu.memory_space<vmem_shared>>) target(%arg23 : memref<112x128xf32, #tpu.memory_space<vmem>>) offsets(%arg16 : memref<112xi32, #tpu.memory_space<vmem>>) semaphore(%arg44 : memref<!tpu.dma_semaphore, #tpu.memory_space<semaphore_mem>>) {add = true}
    %scan3A = arith.constant 0 : i32
    %scan3A_128 = arith.constant 0 : i32
    %scan3A_129 = arith.constant 4 : i32
    %scan3A_130 = arith.addi %scan3A_128, %scan3A_129 : i32
    %scan3A_131 = arith.constant 1 : i32
    scf.for %scan3A_175 = %scan3A_128 to %scan3A_130 step %scan3A_131  : i32 {
      %mul3A_176 = arith.constant 7 : i32
      %mul3A_177 = arith.muli %scan3A_175, %mul3A_176 : i32
      %add3A_178 = arith.constant 0 : i32
      %add3A_179 = arith.addi %mul3A_177, %add3A_178 : i32
      %dma_wait3A_180 = arith.constant 0 : i32
      %dma_wait3A_181 = arith.constant 0 : i32
      %dma_wait3A_182 = tpu.memref_slice %arg5[%dma_wait3A_180, %dma_wait3A_181] : memref<1000x128xf32, #tpu.memory_space<hbm>> -> memref<112x128xf32, #tpu.memory_space<hbm>>
      %dma_wait3A_183 = arith.constant 0 : i32
      %dma_wait3A_184 = arith.constant 0 : i32
      %dma_wait3A_185 = tpu.memref_slice %arg5[%dma_wait3A_183, %dma_wait3A_184] : memref<1000x128xf32, #tpu.memory_space<hbm>> -> memref<112x128xf32, #tpu.memory_space<hbm>>
      tpu.wait_dma2 semaphore(%arg42 : memref<!tpu.dma_semaphore, #tpu.memory_space<semaphore_mem>>) src(%dma_wait3A_185 : memref<112x128xf32, #tpu.memory_space<hbm>>) dst(%arg21 : memref<112x128xf32, #tpu.memory_space<vmem>>)
      %mul3A_186 = arith.constant 112 : i32
      %mul3A_187 = arith.muli %add3A_179, %mul3A_186 : i32
      %add3A_188 = arith.addi %min3A_3, %mul3A_187 : i32
      %dma_start3A_189 = arith.constant 0 : i32
      %dma_start3A_190 = tpu.memref_slice %arg6[%add3A_188, %dma_start3A_189] : memref<100000x128xf32, #tpu.memory_space<hbm>> -> memref<112x128xf32, #tpu.memory_space<hbm>>
      %dma_start3A_191 = arith.constant 0 : i32
      %dma_start3A_192 = tpu.memref_slice %arg6[%add3A_188, %dma_start3A_191] : memref<100000x128xf32, #tpu.memory_space<hbm>> -> memref<112x128xf32, #tpu.memory_space<hbm>>
      tpu.enqueue_dma source(%arg21 : memref<112x128xf32, #tpu.memory_space<vmem>>) target(%dma_start3A_192 : memref<112x128xf32, #tpu.memory_space<hbm>>) target_semaphore(%arg49 : memref<!tpu.dma_semaphore, #tpu.memory_space<semaphore_mem>>)
      %add3A_193 = arith.constant 3 : i32
      %add3A_194 = arith.addi %add3A_179, %add3A_193 : i32
      %lt3A = arith.constant 28 : i32
      %lt3A_195 = arith.cmpi slt, %add3A_194, %lt3A : i32
      %convert_element_type3A_196 = arith.extui %lt3A_195 : i1 to i32
      %cond3A_197 = arith.constant 0 : i32
      %cond3A_198 = arith.cmpi ne, %convert_element_type3A_196, %cond3A_197 : i32
      scf.if %cond3A_198 {
        %dma_wait3A_441 = arith.constant 0 : i32
        %dma_wait3A_442 = arith.constant 0 : i32
        %dma_wait3A_443 = tpu.memref_slice %arg4[%dma_wait3A_441, %dma_wait3A_442] : memref<100000x128xf32, #tpu.memory_space<hbm>> -> memref<112x128xf32, #tpu.memory_space<hbm>>
        %dma_wait3A_444 = arith.constant 0 : i32
        %dma_wait3A_445 = arith.constant 0 : i32
        %dma_wait3A_446 = tpu.memref_slice %arg4[%dma_wait3A_444, %dma_wait3A_445] : memref<100000x128xf32, #tpu.memory_space<hbm>> -> memref<112x128xf32, #tpu.memory_space<hbm>>
        tpu.wait_dma2 semaphore(%arg38 : memref<!tpu.dma_semaphore, #tpu.memory_space<semaphore_mem>>) src(%dma_wait3A_446 : memref<112x128xf32, #tpu.memory_space<hbm>>) dst(%arg24 : memref<112x128xf32, #tpu.memory_space<vmem>>)
        %dma_start3A_447 = arith.constant 0 : i32
        %dma_start3A_448 = arith.constant 0 : i32
        %dma_start3A_449 = tpu.memref_slice %arg56[%dma_start3A_447, %dma_start3A_448] : memref<1000x128xf32, #tpu.memory_space<vmem_shared>> -> memref<1000x128xf32, #tpu.memory_space<vmem_shared>>
        tpu.enqueue_indirect_dma source(%dma_start3A_449 : memref<1000x128xf32, #tpu.memory_space<vmem_shared>>) target(%arg24 : memref<112x128xf32, #tpu.memory_space<vmem>>) offsets(%arg17 : memref<112xi32, #tpu.memory_space<vmem>>) semaphore(%arg45 : memref<!tpu.dma_semaphore, #tpu.memory_space<semaphore_mem>>) {add = true}
      } else {
      }
      %add3A_199 = arith.constant 5 : i32
      %add3A_200 = arith.addi %add3A_179, %add3A_199 : i32
      %lt3A_201 = arith.constant 28 : i32
      %lt3A_202 = arith.cmpi slt, %add3A_200, %lt3A_201 : i32
      %convert_element_type3A_203 = arith.extui %lt3A_202 : i1 to i32
      %cond3A_204 = arith.constant 0 : i32
      %cond3A_205 = arith.cmpi ne, %convert_element_type3A_203, %cond3A_204 : i32
      scf.if %cond3A_205 {
        %ge3A = arith.constant 2 : i32
        %ge3A_441 = arith.cmpi sge, %add3A_179, %ge3A : i32
        %convert_element_type3A_442 = arith.extui %ge3A_441 : i1 to i32
        %cond3A_443 = arith.constant 0 : i32
        %cond3A_444 = arith.cmpi ne, %convert_element_type3A_442, %cond3A_443 : i32
        scf.if %cond3A_444 {
          %dma_wait3A_456 = arith.constant 0 : i32
          %dma_wait3A_457 = arith.constant 0 : i32
          %dma_wait3A_458 = tpu.memref_slice %arg6[%dma_wait3A_456, %dma_wait3A_457] : memref<100000x128xf32, #tpu.memory_space<hbm>> -> memref<112x128xf32, #tpu.memory_space<hbm>>
          %dma_wait3A_459 = arith.constant 0 : i32
          %dma_wait3A_460 = arith.constant 0 : i32
          %dma_wait3A_461 = tpu.memref_slice %arg6[%dma_wait3A_459, %dma_wait3A_460] : memref<100000x128xf32, #tpu.memory_space<hbm>> -> memref<112x128xf32, #tpu.memory_space<hbm>>
          tpu.wait_dma2 semaphore(%arg54 : memref<!tpu.dma_semaphore, #tpu.memory_space<semaphore_mem>>) src(%arg26 : memref<112x128xf32, #tpu.memory_space<vmem>>) dst(%dma_wait3A_461 : memref<112x128xf32, #tpu.memory_space<hbm>>)
        } else {
        }
        %dma_wait3A_445 = arith.constant 0 : i32
        %dma_wait3A_446 = tpu.memref_slice %arg2[%dma_wait3A_445] : memref<100000xi32, #tpu.memory_space<hbm>> -> memref<112xi32, #tpu.memory_space<hbm>>
        %dma_wait3A_447 = arith.constant 0 : i32
        %dma_wait3A_448 = tpu.memref_slice %arg2[%dma_wait3A_447] : memref<100000xi32, #tpu.memory_space<hbm>> -> memref<112xi32, #tpu.memory_space<hbm>>
        tpu.wait_dma2 semaphore(%arg33 : memref<!tpu.dma_semaphore, #tpu.memory_space<semaphore_mem>>) src(%dma_wait3A_448 : memref<112xi32, #tpu.memory_space<hbm>>) dst(%arg12 : memref<112xi32, #tpu.memory_space<vmem>>)
        %dma_wait3A_449 = arith.constant 0 : i32
        %dma_wait3A_450 = tpu.memref_slice %arg3[%dma_wait3A_449] : memref<100000xi32, #tpu.memory_space<hbm>> -> memref<112xi32, #tpu.memory_space<hbm>>
        %dma_wait3A_451 = arith.constant 0 : i32
        %dma_wait3A_452 = tpu.memref_slice %arg3[%dma_wait3A_451] : memref<100000xi32, #tpu.memory_space<hbm>> -> memref<112xi32, #tpu.memory_space<hbm>>
        tpu.wait_dma2 semaphore(%arg33 : memref<!tpu.dma_semaphore, #tpu.memory_space<semaphore_mem>>) src(%dma_wait3A_452 : memref<112xi32, #tpu.memory_space<hbm>>) dst(%arg19 : memref<112xi32, #tpu.memory_space<vmem>>)
        %dma_start3A_453 = arith.constant 0 : i32
        %dma_start3A_454 = arith.constant 0 : i32
        %dma_start3A_455 = tpu.memref_slice %arg4[%dma_start3A_453, %dma_start3A_454] : memref<100000x128xf32, #tpu.memory_space<hbm>> -> memref<100000x128xf32, #tpu.memory_space<hbm>>
        tpu.enqueue_indirect_dma source(%dma_start3A_455 : memref<100000x128xf32, #tpu.memory_space<hbm>>) target(%arg26 : memref<112x128xf32, #tpu.memory_space<vmem>>) offsets(%arg12 : memref<112xi32, #tpu.memory_space<vmem>>) semaphore(%arg40 : memref<!tpu.dma_semaphore, #tpu.memory_space<semaphore_mem>>)
      } else {
      }
      %add3A_206 = arith.constant 7 : i32
      %add3A_207 = arith.addi %add3A_179, %add3A_206 : i32
      %lt3A_208 = arith.constant 28 : i32
      %lt3A_209 = arith.cmpi slt, %add3A_207, %lt3A_208 : i32
      %convert_element_type3A_210 = arith.extui %lt3A_209 : i1 to i32
      %cond3A_211 = arith.constant 0 : i32
      %cond3A_212 = arith.cmpi ne, %convert_element_type3A_210, %cond3A_211 : i32
      scf.if %cond3A_212 {
        %add3A_441 = arith.constant 7 : i32
        %add3A_442 = arith.addi %add3A_179, %add3A_441 : i32
        %mul3A_443 = arith.constant 112 : i32
        %mul3A_444 = arith.muli %add3A_442, %mul3A_443 : i32
        %add3A_445 = arith.addi %min3A_3, %mul3A_444 : i32
        %dma_start3A_446 = tpu.memref_slice %arg2[%add3A_445] : memref<100000xi32, #tpu.memory_space<hbm>> -> memref<112xi32, #tpu.memory_space<hbm>>
        %dma_start3A_447 = tpu.memref_slice %arg2[%add3A_445] : memref<100000xi32, #tpu.memory_space<hbm>> -> memref<112xi32, #tpu.memory_space<hbm>>
        tpu.enqueue_dma source(%dma_start3A_447 : memref<112xi32, #tpu.memory_space<hbm>>) target(%arg7 : memref<112xi32, #tpu.memory_space<vmem>>) target_semaphore(%arg28 : memref<!tpu.dma_semaphore, #tpu.memory_space<semaphore_mem>>)
        %dma_start3A_448 = tpu.memref_slice %arg3[%add3A_445] : memref<100000xi32, #tpu.memory_space<hbm>> -> memref<112xi32, #tpu.memory_space<hbm>>
        %dma_start3A_449 = tpu.memref_slice %arg3[%add3A_445] : memref<100000xi32, #tpu.memory_space<hbm>> -> memref<112xi32, #tpu.memory_space<hbm>>
        tpu.enqueue_dma source(%dma_start3A_449 : memref<112xi32, #tpu.memory_space<hbm>>) target(%arg14 : memref<112xi32, #tpu.memory_space<vmem>>) target_semaphore(%arg28 : memref<!tpu.dma_semaphore, #tpu.memory_space<semaphore_mem>>)
      } else {
      }
      %mul3A_213 = arith.constant 7 : i32
      %mul3A_214 = arith.muli %scan3A_175, %mul3A_213 : i32
      %add3A_215 = arith.constant 1 : i32
      %add3A_216 = arith.addi %mul3A_214, %add3A_215 : i32
      %dma_wait3A_217 = arith.constant 0 : i32
      %dma_wait3A_218 = arith.constant 0 : i32
      %dma_wait3A_219 = tpu.memref_slice %arg5[%dma_wait3A_217, %dma_wait3A_218] : memref<1000x128xf32, #tpu.memory_space<hbm>> -> memref<112x128xf32, #tpu.memory_space<hbm>>
      %dma_wait3A_220 = arith.constant 0 : i32
      %dma_wait3A_221 = arith.constant 0 : i32
      %dma_wait3A_222 = tpu.memref_slice %arg5[%dma_wait3A_220, %dma_wait3A_221] : memref<1000x128xf32, #tpu.memory_space<hbm>> -> memref<112x128xf32, #tpu.memory_space<hbm>>
      tpu.wait_dma2 semaphore(%arg43 : memref<!tpu.dma_semaphore, #tpu.memory_space<semaphore_mem>>) src(%dma_wait3A_222 : memref<112x128xf32, #tpu.memory_space<hbm>>) dst(%arg22 : memref<112x128xf32, #tpu.memory_space<vmem>>)
      %mul3A_223 = arith.constant 112 : i32
      %mul3A_224 = arith.muli %add3A_216, %mul3A_223 : i32
      %add3A_225 = arith.addi %min3A_3, %mul3A_224 : i32
      %dma_start3A_226 = arith.constant 0 : i32
      %dma_start3A_227 = tpu.memref_slice %arg6[%add3A_225, %dma_start3A_226] : memref<100000x128xf32, #tpu.memory_space<hbm>> -> memref<112x128xf32, #tpu.memory_space<hbm>>
      %dma_start3A_228 = arith.constant 0 : i32
      %dma_start3A_229 = tpu.memref_slice %arg6[%add3A_225, %dma_start3A_228] : memref<100000x128xf32, #tpu.memory_space<hbm>> -> memref<112x128xf32, #tpu.memory_space<hbm>>
      tpu.enqueue_dma source(%arg22 : memref<112x128xf32, #tpu.memory_space<vmem>>) target(%dma_start3A_229 : memref<112x128xf32, #tpu.memory_space<hbm>>) target_semaphore(%arg50 : memref<!tpu.dma_semaphore, #tpu.memory_space<semaphore_mem>>)
      %add3A_230 = arith.constant 3 : i32
      %add3A_231 = arith.addi %add3A_216, %add3A_230 : i32
      %lt3A_232 = arith.constant 28 : i32
      %lt3A_233 = arith.cmpi slt, %add3A_231, %lt3A_232 : i32
      %convert_element_type3A_234 = arith.extui %lt3A_233 : i1 to i32
      %cond3A_235 = arith.constant 0 : i32
      %cond3A_236 = arith.cmpi ne, %convert_element_type3A_234, %cond3A_235 : i32
      scf.if %cond3A_236 {
        %dma_wait3A_441 = arith.constant 0 : i32
        %dma_wait3A_442 = arith.constant 0 : i32
        %dma_wait3A_443 = tpu.memref_slice %arg4[%dma_wait3A_441, %dma_wait3A_442] : memref<100000x128xf32, #tpu.memory_space<hbm>> -> memref<112x128xf32, #tpu.memory_space<hbm>>
        %dma_wait3A_444 = arith.constant 0 : i32
        %dma_wait3A_445 = arith.constant 0 : i32
        %dma_wait3A_446 = tpu.memref_slice %arg4[%dma_wait3A_444, %dma_wait3A_445] : memref<100000x128xf32, #tpu.memory_space<hbm>> -> memref<112x128xf32, #tpu.memory_space<hbm>>
        tpu.wait_dma2 semaphore(%arg39 : memref<!tpu.dma_semaphore, #tpu.memory_space<semaphore_mem>>) src(%dma_wait3A_446 : memref<112x128xf32, #tpu.memory_space<hbm>>) dst(%arg25 : memref<112x128xf32, #tpu.memory_space<vmem>>)
        %dma_start3A_447 = arith.constant 0 : i32
        %dma_start3A_448 = arith.constant 0 : i32
        %dma_start3A_449 = tpu.memref_slice %arg56[%dma_start3A_447, %dma_start3A_448] : memref<1000x128xf32, #tpu.memory_space<vmem_shared>> -> memref<1000x128xf32, #tpu.memory_space<vmem_shared>>
        tpu.enqueue_indirect_dma source(%dma_start3A_449 : memref<1000x128xf32, #tpu.memory_space<vmem_shared>>) target(%arg25 : memref<112x128xf32, #tpu.memory_space<vmem>>) offsets(%arg18 : memref<112xi32, #tpu.memory_space<vmem>>) semaphore(%arg46 : memref<!tpu.dma_semaphore, #tpu.memory_space<semaphore_mem>>) {add = true}
      } else {
      }
      %add3A_237 = arith.constant 5 : i32
      %add3A_238 = arith.addi %add3A_216, %add3A_237 : i32
      %lt3A_239 = arith.constant 28 : i32
      %lt3A_240 = arith.cmpi slt, %add3A_238, %lt3A_239 : i32
      %convert_element_type3A_241 = arith.extui %lt3A_240 : i1 to i32
      %cond3A_242 = arith.constant 0 : i32
      %cond3A_243 = arith.cmpi ne, %convert_element_type3A_241, %cond3A_242 : i32
      scf.if %cond3A_243 {
        %ge3A = arith.constant 2 : i32
        %ge3A_441 = arith.cmpi sge, %add3A_216, %ge3A : i32
        %convert_element_type3A_442 = arith.extui %ge3A_441 : i1 to i32
        %cond3A_443 = arith.constant 0 : i32
        %cond3A_444 = arith.cmpi ne, %convert_element_type3A_442, %cond3A_443 : i32
        scf.if %cond3A_444 {
          %dma_wait3A_456 = arith.constant 0 : i32
          %dma_wait3A_457 = arith.constant 0 : i32
          %dma_wait3A_458 = tpu.memref_slice %arg6[%dma_wait3A_456, %dma_wait3A_457] : memref<100000x128xf32, #tpu.memory_space<hbm>> -> memref<112x128xf32, #tpu.memory_space<hbm>>
          %dma_wait3A_459 = arith.constant 0 : i32
          %dma_wait3A_460 = arith.constant 0 : i32
          %dma_wait3A_461 = tpu.memref_slice %arg6[%dma_wait3A_459, %dma_wait3A_460] : memref<100000x128xf32, #tpu.memory_space<hbm>> -> memref<112x128xf32, #tpu.memory_space<hbm>>
          tpu.wait_dma2 semaphore(%arg55 : memref<!tpu.dma_semaphore, #tpu.memory_space<semaphore_mem>>) src(%arg27 : memref<112x128xf32, #tpu.memory_space<vmem>>) dst(%dma_wait3A_461 : memref<112x128xf32, #tpu.memory_space<hbm>>)
        } else {
        }
        %dma_wait3A_445 = arith.constant 0 : i32
        %dma_wait3A_446 = tpu.memref_slice %arg2[%dma_wait3A_445] : memref<100000xi32, #tpu.memory_space<hbm>> -> memref<112xi32, #tpu.memory_space<hbm>>
        %dma_wait3A_447 = arith.constant 0 : i32
        %dma_wait3A_448 = tpu.memref_slice %arg2[%dma_wait3A_447] : memref<100000xi32, #tpu.memory_space<hbm>> -> memref<112xi32, #tpu.memory_space<hbm>>
        tpu.wait_dma2 semaphore(%arg34 : memref<!tpu.dma_semaphore, #tpu.memory_space<semaphore_mem>>) src(%dma_wait3A_448 : memref<112xi32, #tpu.memory_space<hbm>>) dst(%arg13 : memref<112xi32, #tpu.memory_space<vmem>>)
        %dma_wait3A_449 = arith.constant 0 : i32
        %dma_wait3A_450 = tpu.memref_slice %arg3[%dma_wait3A_449] : memref<100000xi32, #tpu.memory_space<hbm>> -> memref<112xi32, #tpu.memory_space<hbm>>
        %dma_wait3A_451 = arith.constant 0 : i32
        %dma_wait3A_452 = tpu.memref_slice %arg3[%dma_wait3A_451] : memref<100000xi32, #tpu.memory_space<hbm>> -> memref<112xi32, #tpu.memory_space<hbm>>
        tpu.wait_dma2 semaphore(%arg34 : memref<!tpu.dma_semaphore, #tpu.memory_space<semaphore_mem>>) src(%dma_wait3A_452 : memref<112xi32, #tpu.memory_space<hbm>>) dst(%arg20 : memref<112xi32, #tpu.memory_space<vmem>>)
        %dma_start3A_453 = arith.constant 0 : i32
        %dma_start3A_454 = arith.constant 0 : i32
        %dma_start3A_455 = tpu.memref_slice %arg4[%dma_start3A_453, %dma_start3A_454] : memref<100000x128xf32, #tpu.memory_space<hbm>> -> memref<100000x128xf32, #tpu.memory_space<hbm>>
        tpu.enqueue_indirect_dma source(%dma_start3A_455 : memref<100000x128xf32, #tpu.memory_space<hbm>>) target(%arg27 : memref<112x128xf32, #tpu.memory_space<vmem>>) offsets(%arg13 : memref<112xi32, #tpu.memory_space<vmem>>) semaphore(%arg41 : memref<!tpu.dma_semaphore, #tpu.memory_space<semaphore_mem>>)
      } else {
      }
      %add3A_244 = arith.constant 7 : i32
      %add3A_245 = arith.addi %add3A_216, %add3A_244 : i32
      %lt3A_246 = arith.constant 28 : i32
      %lt3A_247 = arith.cmpi slt, %add3A_245, %lt3A_246 : i32
      %convert_element_type3A_248 = arith.extui %lt3A_247 : i1 to i32
      %cond3A_249 = arith.constant 0 : i32
      %cond3A_250 = arith.cmpi ne, %convert_element_type3A_248, %cond3A_249 : i32
      scf.if %cond3A_250 {
        %add3A_441 = arith.constant 7 : i32
        %add3A_442 = arith.addi %add3A_216, %add3A_441 : i32
        %mul3A_443 = arith.constant 112 : i32
        %mul3A_444 = arith.muli %add3A_442, %mul3A_443 : i32
        %add3A_445 = arith.addi %min3A_3, %mul3A_444 : i32
        %dma_start3A_446 = tpu.memref_slice %arg2[%add3A_445] : memref<100000xi32, #tpu.memory_space<hbm>> -> memref<112xi32, #tpu.memory_space<hbm>>
        %dma_start3A_447 = tpu.memref_slice %arg2[%add3A_445] : memref<100000xi32, #tpu.memory_space<hbm>> -> memref<112xi32, #tpu.memory_space<hbm>>
        tpu.enqueue_dma source(%dma_start3A_447 : memref<112xi32, #tpu.memory_space<hbm>>) target(%arg8 : memref<112xi32, #tpu.memory_space<vmem>>) target_semaphore(%arg29 : memref<!tpu.dma_semaphore, #tpu.memory_space<semaphore_mem>>)
        %dma_start3A_448 = tpu.memref_slice %arg3[%add3A_445] : memref<100000xi32, #tpu.memory_space<hbm>> -> memref<112xi32, #tpu.memory_space<hbm>>
        %dma_start3A_449 = tpu.memref_slice %arg3[%add3A_445] : memref<100000xi32, #tpu.memory_space<hbm>> -> memref<112xi32, #tpu.memory_space<hbm>>
        tpu.enqueue_dma source(%dma_start3A_449 : memref<112xi32, #tpu.memory_space<hbm>>) target(%arg15 : memref<112xi32, #tpu.memory_space<vmem>>) target_semaphore(%arg29 : memref<!tpu.dma_semaphore, #tpu.memory_space<semaphore_mem>>)
      } else {
      }
      %mul3A_251 = arith.constant 7 : i32
      %mul3A_252 = arith.muli %scan3A_175, %mul3A_251 : i32
      %add3A_253 = arith.constant 2 : i32
      %add3A_254 = arith.addi %mul3A_252, %add3A_253 : i32
      %dma_wait3A_255 = arith.constant 0 : i32
      %dma_wait3A_256 = arith.constant 0 : i32
      %dma_wait3A_257 = tpu.memref_slice %arg5[%dma_wait3A_255, %dma_wait3A_256] : memref<1000x128xf32, #tpu.memory_space<hbm>> -> memref<112x128xf32, #tpu.memory_space<hbm>>
      %dma_wait3A_258 = arith.constant 0 : i32
      %dma_wait3A_259 = arith.constant 0 : i32
      %dma_wait3A_260 = tpu.memref_slice %arg5[%dma_wait3A_258, %dma_wait3A_259] : memref<1000x128xf32, #tpu.memory_space<hbm>> -> memref<112x128xf32, #tpu.memory_space<hbm>>
      tpu.wait_dma2 semaphore(%arg44 : memref<!tpu.dma_semaphore, #tpu.memory_space<semaphore_mem>>) src(%dma_wait3A_260 : memref<112x128xf32, #tpu.memory_space<hbm>>) dst(%arg23 : memref<112x128xf32, #tpu.memory_space<vmem>>)
      %mul3A_261 = arith.constant 112 : i32
      %mul3A_262 = arith.muli %add3A_254, %mul3A_261 : i32
      %add3A_263 = arith.addi %min3A_3, %mul3A_262 : i32
      %dma_start3A_264 = arith.constant 0 : i32
      %dma_start3A_265 = tpu.memref_slice %arg6[%add3A_263, %dma_start3A_264] : memref<100000x128xf32, #tpu.memory_space<hbm>> -> memref<112x128xf32, #tpu.memory_space<hbm>>
      %dma_start3A_266 = arith.constant 0 : i32
      %dma_start3A_267 = tpu.memref_slice %arg6[%add3A_263, %dma_start3A_266] : memref<100000x128xf32, #tpu.memory_space<hbm>> -> memref<112x128xf32, #tpu.memory_space<hbm>>
      tpu.enqueue_dma source(%arg23 : memref<112x128xf32, #tpu.memory_space<vmem>>) target(%dma_start3A_267 : memref<112x128xf32, #tpu.memory_space<hbm>>) target_semaphore(%arg51 : memref<!tpu.dma_semaphore, #tpu.memory_space<semaphore_mem>>)
      %add3A_268 = arith.constant 3 : i32
      %add3A_269 = arith.addi %add3A_254, %add3A_268 : i32
      %lt3A_270 = arith.constant 28 : i32
      %lt3A_271 = arith.cmpi slt, %add3A_269, %lt3A_270 : i32
      %convert_element_type3A_272 = arith.extui %lt3A_271 : i1 to i32
      %cond3A_273 = arith.constant 0 : i32
      %cond3A_274 = arith.cmpi ne, %convert_element_type3A_272, %cond3A_273 : i32
      scf.if %cond3A_274 {
        %dma_wait3A_441 = arith.constant 0 : i32
        %dma_wait3A_442 = arith.constant 0 : i32
        %dma_wait3A_443 = tpu.memref_slice %arg4[%dma_wait3A_441, %dma_wait3A_442] : memref<100000x128xf32, #tpu.memory_space<hbm>> -> memref<112x128xf32, #tpu.memory_space<hbm>>
        %dma_wait3A_444 = arith.constant 0 : i32
        %dma_wait3A_445 = arith.constant 0 : i32
        %dma_wait3A_446 = tpu.memref_slice %arg4[%dma_wait3A_444, %dma_wait3A_445] : memref<100000x128xf32, #tpu.memory_space<hbm>> -> memref<112x128xf32, #tpu.memory_space<hbm>>
        tpu.wait_dma2 semaphore(%arg40 : memref<!tpu.dma_semaphore, #tpu.memory_space<semaphore_mem>>) src(%dma_wait3A_446 : memref<112x128xf32, #tpu.memory_space<hbm>>) dst(%arg26 : memref<112x128xf32, #tpu.memory_space<vmem>>)
        %dma_start3A_447 = arith.constant 0 : i32
        %dma_start3A_448 = arith.constant 0 : i32
        %dma_start3A_449 = tpu.memref_slice %arg56[%dma_start3A_447, %dma_start3A_448] : memref<1000x128xf32, #tpu.memory_space<vmem_shared>> -> memref<1000x128xf32, #tpu.memory_space<vmem_shared>>
        tpu.enqueue_indirect_dma source(%dma_start3A_449 : memref<1000x128xf32, #tpu.memory_space<vmem_shared>>) target(%arg26 : memref<112x128xf32, #tpu.memory_space<vmem>>) offsets(%arg19 : memref<112xi32, #tpu.memory_space<vmem>>) semaphore(%arg47 : memref<!tpu.dma_semaphore, #tpu.memory_space<semaphore_mem>>) {add = true}
      } else {
      }
      %add3A_275 = arith.constant 5 : i32
      %add3A_276 = arith.addi %add3A_254, %add3A_275 : i32
      %lt3A_277 = arith.constant 28 : i32
      %lt3A_278 = arith.cmpi slt, %add3A_276, %lt3A_277 : i32
      %convert_element_type3A_279 = arith.extui %lt3A_278 : i1 to i32
      %cond3A_280 = arith.constant 0 : i32
      %cond3A_281 = arith.cmpi ne, %convert_element_type3A_279, %cond3A_280 : i32
      scf.if %cond3A_281 {
        %ge3A = arith.constant 2 : i32
        %ge3A_441 = arith.cmpi sge, %add3A_254, %ge3A : i32
        %convert_element_type3A_442 = arith.extui %ge3A_441 : i1 to i32
        %cond3A_443 = arith.constant 0 : i32
        %cond3A_444 = arith.cmpi ne, %convert_element_type3A_442, %cond3A_443 : i32
        scf.if %cond3A_444 {
          %dma_wait3A_456 = arith.constant 0 : i32
          %dma_wait3A_457 = arith.constant 0 : i32
          %dma_wait3A_458 = tpu.memref_slice %arg6[%dma_wait3A_456, %dma_wait3A_457] : memref<100000x128xf32, #tpu.memory_space<hbm>> -> memref<112x128xf32, #tpu.memory_space<hbm>>
          %dma_wait3A_459 = arith.constant 0 : i32
          %dma_wait3A_460 = arith.constant 0 : i32
          %dma_wait3A_461 = tpu.memref_slice %arg6[%dma_wait3A_459, %dma_wait3A_460] : memref<100000x128xf32, #tpu.memory_space<hbm>> -> memref<112x128xf32, #tpu.memory_space<hbm>>
          tpu.wait_dma2 semaphore(%arg49 : memref<!tpu.dma_semaphore, #tpu.memory_space<semaphore_mem>>) src(%arg21 : memref<112x128xf32, #tpu.memory_space<vmem>>) dst(%dma_wait3A_461 : memref<112x128xf32, #tpu.memory_space<hbm>>)
        } else {
        }
        %dma_wait3A_445 = arith.constant 0 : i32
        %dma_wait3A_446 = tpu.memref_slice %arg2[%dma_wait3A_445] : memref<100000xi32, #tpu.memory_space<hbm>> -> memref<112xi32, #tpu.memory_space<hbm>>
        %dma_wait3A_447 = arith.constant 0 : i32
        %dma_wait3A_448 = tpu.memref_slice %arg2[%dma_wait3A_447] : memref<100000xi32, #tpu.memory_space<hbm>> -> memref<112xi32, #tpu.memory_space<hbm>>
        tpu.wait_dma2 semaphore(%arg28 : memref<!tpu.dma_semaphore, #tpu.memory_space<semaphore_mem>>) src(%dma_wait3A_448 : memref<112xi32, #tpu.memory_space<hbm>>) dst(%arg7 : memref<112xi32, #tpu.memory_space<vmem>>)
        %dma_wait3A_449 = arith.constant 0 : i32
        %dma_wait3A_450 = tpu.memref_slice %arg3[%dma_wait3A_449] : memref<100000xi32, #tpu.memory_space<hbm>> -> memref<112xi32, #tpu.memory_space<hbm>>
        %dma_wait3A_451 = arith.constant 0 : i32
        %dma_wait3A_452 = tpu.memref_slice %arg3[%dma_wait3A_451] : memref<100000xi32, #tpu.memory_space<hbm>> -> memref<112xi32, #tpu.memory_space<hbm>>
        tpu.wait_dma2 semaphore(%arg28 : memref<!tpu.dma_semaphore, #tpu.memory_space<semaphore_mem>>) src(%dma_wait3A_452 : memref<112xi32, #tpu.memory_space<hbm>>) dst(%arg14 : memref<112xi32, #tpu.memory_space<vmem>>)
        %dma_start3A_453 = arith.constant 0 : i32
        %dma_start3A_454 = arith.constant 0 : i32
        %dma_start3A_455 = tpu.memref_slice %arg4[%dma_start3A_453, %dma_start3A_454] : memref<100000x128xf32, #tpu.memory_space<hbm>> -> memref<100000x128xf32, #tpu.memory_space<hbm>>
        tpu.enqueue_indirect_dma source(%dma_start3A_455 : memref<100000x128xf32, #tpu.memory_space<hbm>>) target(%arg21 : memref<112x128xf32, #tpu.memory_space<vmem>>) offsets(%arg7 : memref<112xi32, #tpu.memory_space<vmem>>) semaphore(%arg35 : memref<!tpu.dma_semaphore, #tpu.memory_space<semaphore_mem>>)
      } else {
      }
      %add3A_282 = arith.constant 7 : i32
      %add3A_283 = arith.addi %add3A_254, %add3A_282 : i32
      %lt3A_284 = arith.constant 28 : i32
      %lt3A_285 = arith.cmpi slt, %add3A_283, %lt3A_284 : i32
      %convert_element_type3A_286 = arith.extui %lt3A_285 : i1 to i32
      %cond3A_287 = arith.constant 0 : i32
      %cond3A_288 = arith.cmpi ne, %convert_element_type3A_286, %cond3A_287 : i32
      scf.if %cond3A_288 {
        %add3A_441 = arith.constant 7 : i32
        %add3A_442 = arith.addi %add3A_254, %add3A_441 : i32
        %mul3A_443 = arith.constant 112 : i32
        %mul3A_444 = arith.muli %add3A_442, %mul3A_443 : i32
        %add3A_445 = arith.addi %min3A_3, %mul3A_444 : i32
        %dma_start3A_446 = tpu.memref_slice %arg2[%add3A_445] : memref<100000xi32, #tpu.memory_space<hbm>> -> memref<112xi32, #tpu.memory_space<hbm>>
        %dma_start3A_447 = tpu.memref_slice %arg2[%add3A_445] : memref<100000xi32, #tpu.memory_space<hbm>> -> memref<112xi32, #tpu.memory_space<hbm>>
        tpu.enqueue_dma source(%dma_start3A_447 : memref<112xi32, #tpu.memory_space<hbm>>) target(%arg9 : memref<112xi32, #tpu.memory_space<vmem>>) target_semaphore(%arg30 : memref<!tpu.dma_semaphore, #tpu.memory_space<semaphore_mem>>)
        %dma_start3A_448 = tpu.memref_slice %arg3[%add3A_445] : memref<100000xi32, #tpu.memory_space<hbm>> -> memref<112xi32, #tpu.memory_space<hbm>>
        %dma_start3A_449 = tpu.memref_slice %arg3[%add3A_445] : memref<100000xi32, #tpu.memory_space<hbm>> -> memref<112xi32, #tpu.memory_space<hbm>>
        tpu.enqueue_dma source(%dma_start3A_449 : memref<112xi32, #tpu.memory_space<hbm>>) target(%arg16 : memref<112xi32, #tpu.memory_space<vmem>>) target_semaphore(%arg30 : memref<!tpu.dma_semaphore, #tpu.memory_space<semaphore_mem>>)
      } else {
      }
      %mul3A_289 = arith.constant 7 : i32
      %mul3A_290 = arith.muli %scan3A_175, %mul3A_289 : i32
      %add3A_291 = arith.constant 3 : i32
      %add3A_292 = arith.addi %mul3A_290, %add3A_291 : i32
      %dma_wait3A_293 = arith.constant 0 : i32
      %dma_wait3A_294 = arith.constant 0 : i32
      %dma_wait3A_295 = tpu.memref_slice %arg5[%dma_wait3A_293, %dma_wait3A_294] : memref<1000x128xf32, #tpu.memory_space<hbm>> -> memref<112x128xf32, #tpu.memory_space<hbm>>
      %dma_wait3A_296 = arith.constant 0 : i32
      %dma_wait3A_297 = arith.constant 0 : i32
      %dma_wait3A_298 = tpu.memref_slice %arg5[%dma_wait3A_296, %dma_wait3A_297] : memref<1000x128xf32, #tpu.memory_space<hbm>> -> memref<112x128xf32, #tpu.memory_space<hbm>>
      tpu.wait_dma2 semaphore(%arg45 : memref<!tpu.dma_semaphore, #tpu.memory_space<semaphore_mem>>) src(%dma_wait3A_298 : memref<112x128xf32, #tpu.memory_space<hbm>>) dst(%arg24 : memref<112x128xf32, #tpu.memory_space<vmem>>)
      %mul3A_299 = arith.constant 112 : i32
      %mul3A_300 = arith.muli %add3A_292, %mul3A_299 : i32
      %add3A_301 = arith.addi %min3A_3, %mul3A_300 : i32
      %dma_start3A_302 = arith.constant 0 : i32
      %dma_start3A_303 = tpu.memref_slice %arg6[%add3A_301, %dma_start3A_302] : memref<100000x128xf32, #tpu.memory_space<hbm>> -> memref<112x128xf32, #tpu.memory_space<hbm>>
      %dma_start3A_304 = arith.constant 0 : i32
      %dma_start3A_305 = tpu.memref_slice %arg6[%add3A_301, %dma_start3A_304] : memref<100000x128xf32, #tpu.memory_space<hbm>> -> memref<112x128xf32, #tpu.memory_space<hbm>>
      tpu.enqueue_dma source(%arg24 : memref<112x128xf32, #tpu.memory_space<vmem>>) target(%dma_start3A_305 : memref<112x128xf32, #tpu.memory_space<hbm>>) target_semaphore(%arg52 : memref<!tpu.dma_semaphore, #tpu.memory_space<semaphore_mem>>)
      %add3A_306 = arith.constant 3 : i32
      %add3A_307 = arith.addi %add3A_292, %add3A_306 : i32
      %lt3A_308 = arith.constant 28 : i32
      %lt3A_309 = arith.cmpi slt, %add3A_307, %lt3A_308 : i32
      %convert_element_type3A_310 = arith.extui %lt3A_309 : i1 to i32
      %cond3A_311 = arith.constant 0 : i32
      %cond3A_312 = arith.cmpi ne, %convert_element_type3A_310, %cond3A_311 : i32
      scf.if %cond3A_312 {
        %dma_wait3A_441 = arith.constant 0 : i32
        %dma_wait3A_442 = arith.constant 0 : i32
        %dma_wait3A_443 = tpu.memref_slice %arg4[%dma_wait3A_441, %dma_wait3A_442] : memref<100000x128xf32, #tpu.memory_space<hbm>> -> memref<112x128xf32, #tpu.memory_space<hbm>>
        %dma_wait3A_444 = arith.constant 0 : i32
        %dma_wait3A_445 = arith.constant 0 : i32
        %dma_wait3A_446 = tpu.memref_slice %arg4[%dma_wait3A_444, %dma_wait3A_445] : memref<100000x128xf32, #tpu.memory_space<hbm>> -> memref<112x128xf32, #tpu.memory_space<hbm>>
        tpu.wait_dma2 semaphore(%arg41 : memref<!tpu.dma_semaphore, #tpu.memory_space<semaphore_mem>>) src(%dma_wait3A_446 : memref<112x128xf32, #tpu.memory_space<hbm>>) dst(%arg27 : memref<112x128xf32, #tpu.memory_space<vmem>>)
        %dma_start3A_447 = arith.constant 0 : i32
        %dma_start3A_448 = arith.constant 0 : i32
        %dma_start3A_449 = tpu.memref_slice %arg56[%dma_start3A_447, %dma_start3A_448] : memref<1000x128xf32, #tpu.memory_space<vmem_shared>> -> memref<1000x128xf32, #tpu.memory_space<vmem_shared>>
        tpu.enqueue_indirect_dma source(%dma_start3A_449 : memref<1000x128xf32, #tpu.memory_space<vmem_shared>>) target(%arg27 : memref<112x128xf32, #tpu.memory_space<vmem>>) offsets(%arg20 : memref<112xi32, #tpu.memory_space<vmem>>) semaphore(%arg48 : memref<!tpu.dma_semaphore, #tpu.memory_space<semaphore_mem>>) {add = true}
      } else {
      }
      %add3A_313 = arith.constant 5 : i32
      %add3A_314 = arith.addi %add3A_292, %add3A_313 : i32
      %lt3A_315 = arith.constant 28 : i32
      %lt3A_316 = arith.cmpi slt, %add3A_314, %lt3A_315 : i32
      %convert_element_type3A_317 = arith.extui %lt3A_316 : i1 to i32
      %cond3A_318 = arith.constant 0 : i32
      %cond3A_319 = arith.cmpi ne, %convert_element_type3A_317, %cond3A_318 : i32
      scf.if %cond3A_319 {
        %ge3A = arith.constant 2 : i32
        %ge3A_441 = arith.cmpi sge, %add3A_292, %ge3A : i32
        %convert_element_type3A_442 = arith.extui %ge3A_441 : i1 to i32
        %cond3A_443 = arith.constant 0 : i32
        %cond3A_444 = arith.cmpi ne, %convert_element_type3A_442, %cond3A_443 : i32
        scf.if %cond3A_444 {
          %dma_wait3A_456 = arith.constant 0 : i32
          %dma_wait3A_457 = arith.constant 0 : i32
          %dma_wait3A_458 = tpu.memref_slice %arg6[%dma_wait3A_456, %dma_wait3A_457] : memref<100000x128xf32, #tpu.memory_space<hbm>> -> memref<112x128xf32, #tpu.memory_space<hbm>>
          %dma_wait3A_459 = arith.constant 0 : i32
          %dma_wait3A_460 = arith.constant 0 : i32
          %dma_wait3A_461 = tpu.memref_slice %arg6[%dma_wait3A_459, %dma_wait3A_460] : memref<100000x128xf32, #tpu.memory_space<hbm>> -> memref<112x128xf32, #tpu.memory_space<hbm>>
          tpu.wait_dma2 semaphore(%arg50 : memref<!tpu.dma_semaphore, #tpu.memory_space<semaphore_mem>>) src(%arg22 : memref<112x128xf32, #tpu.memory_space<vmem>>) dst(%dma_wait3A_461 : memref<112x128xf32, #tpu.memory_space<hbm>>)
        } else {
        }
        %dma_wait3A_445 = arith.constant 0 : i32
        %dma_wait3A_446 = tpu.memref_slice %arg2[%dma_wait3A_445] : memref<100000xi32, #tpu.memory_space<hbm>> -> memref<112xi32, #tpu.memory_space<hbm>>
        %dma_wait3A_447 = arith.constant 0 : i32
        %dma_wait3A_448 = tpu.memref_slice %arg2[%dma_wait3A_447] : memref<100000xi32, #tpu.memory_space<hbm>> -> memref<112xi32, #tpu.memory_space<hbm>>
        tpu.wait_dma2 semaphore(%arg29 : memref<!tpu.dma_semaphore, #tpu.memory_space<semaphore_mem>>) src(%dma_wait3A_448 : memref<112xi32, #tpu.memory_space<hbm>>) dst(%arg8 : memref<112xi32, #tpu.memory_space<vmem>>)
        %dma_wait3A_449 = arith.constant 0 : i32
        %dma_wait3A_450 = tpu.memref_slice %arg3[%dma_wait3A_449] : memref<100000xi32, #tpu.memory_space<hbm>> -> memref<112xi32, #tpu.memory_space<hbm>>
        %dma_wait3A_451 = arith.constant 0 : i32
        %dma_wait3A_452 = tpu.memref_slice %arg3[%dma_wait3A_451] : memref<100000xi32, #tpu.memory_space<hbm>> -> memref<112xi32, #tpu.memory_space<hbm>>
        tpu.wait_dma2 semaphore(%arg29 : memref<!tpu.dma_semaphore, #tpu.memory_space<semaphore_mem>>) src(%dma_wait3A_452 : memref<112xi32, #tpu.memory_space<hbm>>) dst(%arg15 : memref<112xi32, #tpu.memory_space<vmem>>)
        %dma_start3A_453 = arith.constant 0 : i32
        %dma_start3A_454 = arith.constant 0 : i32
        %dma_start3A_455 = tpu.memref_slice %arg4[%dma_start3A_453, %dma_start3A_454] : memref<100000x128xf32, #tpu.memory_space<hbm>> -> memref<100000x128xf32, #tpu.memory_space<hbm>>
        tpu.enqueue_indirect_dma source(%dma_start3A_455 : memref<100000x128xf32, #tpu.memory_space<hbm>>) target(%arg22 : memref<112x128xf32, #tpu.memory_space<vmem>>) offsets(%arg8 : memref<112xi32, #tpu.memory_space<vmem>>) semaphore(%arg36 : memref<!tpu.dma_semaphore, #tpu.memory_space<semaphore_mem>>)
      } else {
      }
      %add3A_320 = arith.constant 7 : i32
      %add3A_321 = arith.addi %add3A_292, %add3A_320 : i32
      %lt3A_322 = arith.constant 28 : i32
      %lt3A_323 = arith.cmpi slt, %add3A_321, %lt3A_322 : i32
      %convert_element_type3A_324 = arith.extui %lt3A_323 : i1 to i32
      %cond3A_325 = arith.constant 0 : i32
      %cond3A_326 = arith.cmpi ne, %convert_element_type3A_324, %cond3A_325 : i32
      scf.if %cond3A_326 {
        %add3A_441 = arith.constant 7 : i32
        %add3A_442 = arith.addi %add3A_292, %add3A_441 : i32
        %mul3A_443 = arith.constant 112 : i32
        %mul3A_444 = arith.muli %add3A_442, %mul3A_443 : i32
        %add3A_445 = arith.addi %min3A_3, %mul3A_444 : i32
        %dma_start3A_446 = tpu.memref_slice %arg2[%add3A_445] : memref<100000xi32, #tpu.memory_space<hbm>> -> memref<112xi32, #tpu.memory_space<hbm>>
        %dma_start3A_447 = tpu.memref_slice %arg2[%add3A_445] : memref<100000xi32, #tpu.memory_space<hbm>> -> memref<112xi32, #tpu.memory_space<hbm>>
        tpu.enqueue_dma source(%dma_start3A_447 : memref<112xi32, #tpu.memory_space<hbm>>) target(%arg10 : memref<112xi32, #tpu.memory_space<vmem>>) target_semaphore(%arg31 : memref<!tpu.dma_semaphore, #tpu.memory_space<semaphore_mem>>)
        %dma_start3A_448 = tpu.memref_slice %arg3[%add3A_445] : memref<100000xi32, #tpu.memory_space<hbm>> -> memref<112xi32, #tpu.memory_space<hbm>>
        %dma_start3A_449 = tpu.memref_slice %arg3[%add3A_445] : memref<100000xi32, #tpu.memory_space<hbm>> -> memref<112xi32, #tpu.memory_space<hbm>>
        tpu.enqueue_dma source(%dma_start3A_449 : memref<112xi32, #tpu.memory_space<hbm>>) target(%arg17 : memref<112xi32, #tpu.memory_space<vmem>>) target_semaphore(%arg31 : memref<!tpu.dma_semaphore, #tpu.memory_space<semaphore_mem>>)
      } else {
      }
      %mul3A_327 = arith.constant 7 : i32
      %mul3A_328 = arith.muli %scan3A_175, %mul3A_327 : i32
      %add3A_329 = arith.constant 4 : i32
      %add3A_330 = arith.addi %mul3A_328, %add3A_329 : i32
      %dma_wait3A_331 = arith.constant 0 : i32
      %dma_wait3A_332 = arith.constant 0 : i32
      %dma_wait3A_333 = tpu.memref_slice %arg5[%dma_wait3A_331, %dma_wait3A_332] : memref<1000x128xf32, #tpu.memory_space<hbm>> -> memref<112x128xf32, #tpu.memory_space<hbm>>
      %dma_wait3A_334 = arith.constant 0 : i32
      %dma_wait3A_335 = arith.constant 0 : i32
      %dma_wait3A_336 = tpu.memref_slice %arg5[%dma_wait3A_334, %dma_wait3A_335] : memref<1000x128xf32, #tpu.memory_space<hbm>> -> memref<112x128xf32, #tpu.memory_space<hbm>>
      tpu.wait_dma2 semaphore(%arg46 : memref<!tpu.dma_semaphore, #tpu.memory_space<semaphore_mem>>) src(%dma_wait3A_336 : memref<112x128xf32, #tpu.memory_space<hbm>>) dst(%arg25 : memref<112x128xf32, #tpu.memory_space<vmem>>)
      %mul3A_337 = arith.constant 112 : i32
      %mul3A_338 = arith.muli %add3A_330, %mul3A_337 : i32
      %add3A_339 = arith.addi %min3A_3, %mul3A_338 : i32
      %dma_start3A_340 = arith.constant 0 : i32
      %dma_start3A_341 = tpu.memref_slice %arg6[%add3A_339, %dma_start3A_340] : memref<100000x128xf32, #tpu.memory_space<hbm>> -> memref<112x128xf32, #tpu.memory_space<hbm>>
      %dma_start3A_342 = arith.constant 0 : i32
      %dma_start3A_343 = tpu.memref_slice %arg6[%add3A_339, %dma_start3A_342] : memref<100000x128xf32, #tpu.memory_space<hbm>> -> memref<112x128xf32, #tpu.memory_space<hbm>>
      tpu.enqueue_dma source(%arg25 : memref<112x128xf32, #tpu.memory_space<vmem>>) target(%dma_start3A_343 : memref<112x128xf32, #tpu.memory_space<hbm>>) target_semaphore(%arg53 : memref<!tpu.dma_semaphore, #tpu.memory_space<semaphore_mem>>)
      %add3A_344 = arith.constant 3 : i32
      %add3A_345 = arith.addi %add3A_330, %add3A_344 : i32
      %lt3A_346 = arith.constant 28 : i32
      %lt3A_347 = arith.cmpi slt, %add3A_345, %lt3A_346 : i32
      %convert_element_type3A_348 = arith.extui %lt3A_347 : i1 to i32
      %cond3A_349 = arith.constant 0 : i32
      %cond3A_350 = arith.cmpi ne, %convert_element_type3A_348, %cond3A_349 : i32
      scf.if %cond3A_350 {
        %dma_wait3A_441 = arith.constant 0 : i32
        %dma_wait3A_442 = arith.constant 0 : i32
        %dma_wait3A_443 = tpu.memref_slice %arg4[%dma_wait3A_441, %dma_wait3A_442] : memref<100000x128xf32, #tpu.memory_space<hbm>> -> memref<112x128xf32, #tpu.memory_space<hbm>>
        %dma_wait3A_444 = arith.constant 0 : i32
        %dma_wait3A_445 = arith.constant 0 : i32
        %dma_wait3A_446 = tpu.memref_slice %arg4[%dma_wait3A_444, %dma_wait3A_445] : memref<100000x128xf32, #tpu.memory_space<hbm>> -> memref<112x128xf32, #tpu.memory_space<hbm>>
        tpu.wait_dma2 semaphore(%arg35 : memref<!tpu.dma_semaphore, #tpu.memory_space<semaphore_mem>>) src(%dma_wait3A_446 : memref<112x128xf32, #tpu.memory_space<hbm>>) dst(%arg21 : memref<112x128xf32, #tpu.memory_space<vmem>>)
        %dma_start3A_447 = arith.constant 0 : i32
        %dma_start3A_448 = arith.constant 0 : i32
        %dma_start3A_449 = tpu.memref_slice %arg56[%dma_start3A_447, %dma_start3A_448] : memref<1000x128xf32, #tpu.memory_space<vmem_shared>> -> memref<1000x128xf32, #tpu.memory_space<vmem_shared>>
        tpu.enqueue_indirect_dma source(%dma_start3A_449 : memref<1000x128xf32, #tpu.memory_space<vmem_shared>>) target(%arg21 : memref<112x128xf32, #tpu.memory_space<vmem>>) offsets(%arg14 : memref<112xi32, #tpu.memory_space<vmem>>) semaphore(%arg42 : memref<!tpu.dma_semaphore, #tpu.memory_space<semaphore_mem>>) {add = true}
      } else {
      }
      %add3A_351 = arith.constant 5 : i32
      %add3A_352 = arith.addi %add3A_330, %add3A_351 : i32
      %lt3A_353 = arith.constant 28 : i32
      %lt3A_354 = arith.cmpi slt, %add3A_352, %lt3A_353 : i32
      %convert_element_type3A_355 = arith.extui %lt3A_354 : i1 to i32
      %cond3A_356 = arith.constant 0 : i32
      %cond3A_357 = arith.cmpi ne, %convert_element_type3A_355, %cond3A_356 : i32
      scf.if %cond3A_357 {
        %ge3A = arith.constant 2 : i32
        %ge3A_441 = arith.cmpi sge, %add3A_330, %ge3A : i32
        %convert_element_type3A_442 = arith.extui %ge3A_441 : i1 to i32
        %cond3A_443 = arith.constant 0 : i32
        %cond3A_444 = arith.cmpi ne, %convert_element_type3A_442, %cond3A_443 : i32
        scf.if %cond3A_444 {
          %dma_wait3A_456 = arith.constant 0 : i32
          %dma_wait3A_457 = arith.constant 0 : i32
          %dma_wait3A_458 = tpu.memref_slice %arg6[%dma_wait3A_456, %dma_wait3A_457] : memref<100000x128xf32, #tpu.memory_space<hbm>> -> memref<112x128xf32, #tpu.memory_space<hbm>>
          %dma_wait3A_459 = arith.constant 0 : i32
          %dma_wait3A_460 = arith.constant 0 : i32
          %dma_wait3A_461 = tpu.memref_slice %arg6[%dma_wait3A_459, %dma_wait3A_460] : memref<100000x128xf32, #tpu.memory_space<hbm>> -> memref<112x128xf32, #tpu.memory_space<hbm>>
          tpu.wait_dma2 semaphore(%arg51 : memref<!tpu.dma_semaphore, #tpu.memory_space<semaphore_mem>>) src(%arg23 : memref<112x128xf32, #tpu.memory_space<vmem>>) dst(%dma_wait3A_461 : memref<112x128xf32, #tpu.memory_space<hbm>>)
        } else {
        }
        %dma_wait3A_445 = arith.constant 0 : i32
        %dma_wait3A_446 = tpu.memref_slice %arg2[%dma_wait3A_445] : memref<100000xi32, #tpu.memory_space<hbm>> -> memref<112xi32, #tpu.memory_space<hbm>>
        %dma_wait3A_447 = arith.constant 0 : i32
        %dma_wait3A_448 = tpu.memref_slice %arg2[%dma_wait3A_447] : memref<100000xi32, #tpu.memory_space<hbm>> -> memref<112xi32, #tpu.memory_space<hbm>>
        tpu.wait_dma2 semaphore(%arg30 : memref<!tpu.dma_semaphore, #tpu.memory_space<semaphore_mem>>) src(%dma_wait3A_448 : memref<112xi32, #tpu.memory_space<hbm>>) dst(%arg9 : memref<112xi32, #tpu.memory_space<vmem>>)
        %dma_wait3A_449 = arith.constant 0 : i32
        %dma_wait3A_450 = tpu.memref_slice %arg3[%dma_wait3A_449] : memref<100000xi32, #tpu.memory_space<hbm>> -> memref<112xi32, #tpu.memory_space<hbm>>
        %dma_wait3A_451 = arith.constant 0 : i32
        %dma_wait3A_452 = tpu.memref_slice %arg3[%dma_wait3A_451] : memref<100000xi32, #tpu.memory_space<hbm>> -> memref<112xi32, #tpu.memory_space<hbm>>
        tpu.wait_dma2 semaphore(%arg30 : memref<!tpu.dma_semaphore, #tpu.memory_space<semaphore_mem>>) src(%dma_wait3A_452 : memref<112xi32, #tpu.memory_space<hbm>>) dst(%arg16 : memref<112xi32, #tpu.memory_space<vmem>>)
        %dma_start3A_453 = arith.constant 0 : i32
        %dma_start3A_454 = arith.constant 0 : i32
        %dma_start3A_455 = tpu.memref_slice %arg4[%dma_start3A_453, %dma_start3A_454] : memref<100000x128xf32, #tpu.memory_space<hbm>> -> memref<100000x128xf32, #tpu.memory_space<hbm>>
        tpu.enqueue_indirect_dma source(%dma_start3A_455 : memref<100000x128xf32, #tpu.memory_space<hbm>>) target(%arg23 : memref<112x128xf32, #tpu.memory_space<vmem>>) offsets(%arg9 : memref<112xi32, #tpu.memory_space<vmem>>) semaphore(%arg37 : memref<!tpu.dma_semaphore, #tpu.memory_space<semaphore_mem>>)
      } else {
      }
      %add3A_358 = arith.constant 7 : i32
      %add3A_359 = arith.addi %add3A_330, %add3A_358 : i32
      %lt3A_360 = arith.constant 28 : i32
      %lt3A_361 = arith.cmpi slt, %add3A_359, %lt3A_360 : i32
      %convert_element_type3A_362 = arith.extui %lt3A_361 : i1 to i32
      %cond3A_363 = arith.constant 0 : i32
      %cond3A_364 = arith.cmpi ne, %convert_element_type3A_362, %cond3A_363 : i32
      scf.if %cond3A_364 {
        %add3A_441 = arith.constant 7 : i32
        %add3A_442 = arith.addi %add3A_330, %add3A_441 : i32
        %mul3A_443 = arith.constant 112 : i32
        %mul3A_444 = arith.muli %add3A_442, %mul3A_443 : i32
        %add3A_445 = arith.addi %min3A_3, %mul3A_444 : i32
        %dma_start3A_446 = tpu.memref_slice %arg2[%add3A_445] : memref<100000xi32, #tpu.memory_space<hbm>> -> memref<112xi32, #tpu.memory_space<hbm>>
        %dma_start3A_447 = tpu.memref_slice %arg2[%add3A_445] : memref<100000xi32, #tpu.memory_space<hbm>> -> memref<112xi32, #tpu.memory_space<hbm>>
        tpu.enqueue_dma source(%dma_start3A_447 : memref<112xi32, #tpu.memory_space<hbm>>) target(%arg11 : memref<112xi32, #tpu.memory_space<vmem>>) target_semaphore(%arg32 : memref<!tpu.dma_semaphore, #tpu.memory_space<semaphore_mem>>)
        %dma_start3A_448 = tpu.memref_slice %arg3[%add3A_445] : memref<100000xi32, #tpu.memory_space<hbm>> -> memref<112xi32, #tpu.memory_space<hbm>>
        %dma_start3A_449 = tpu.memref_slice %arg3[%add3A_445] : memref<100000xi32, #tpu.memory_space<hbm>> -> memref<112xi32, #tpu.memory_space<hbm>>
        tpu.enqueue_dma source(%dma_start3A_449 : memref<112xi32, #tpu.memory_space<hbm>>) target(%arg18 : memref<112xi32, #tpu.memory_space<vmem>>) target_semaphore(%arg32 : memref<!tpu.dma_semaphore, #tpu.memory_space<semaphore_mem>>)
      } else {
      }
      %mul3A_365 = arith.constant 7 : i32
      %mul3A_366 = arith.muli %scan3A_175, %mul3A_365 : i32
      %add3A_367 = arith.constant 5 : i32
      %add3A_368 = arith.addi %mul3A_366, %add3A_367 : i32
      %dma_wait3A_369 = arith.constant 0 : i32
      %dma_wait3A_370 = arith.constant 0 : i32
      %dma_wait3A_371 = tpu.memref_slice %arg5[%dma_wait3A_369, %dma_wait3A_370] : memref<1000x128xf32, #tpu.memory_space<hbm>> -> memref<112x128xf32, #tpu.memory_space<hbm>>
      %dma_wait3A_372 = arith.constant 0 : i32
      %dma_wait3A_373 = arith.constant 0 : i32
      %dma_wait3A_374 = tpu.memref_slice %arg5[%dma_wait3A_372, %dma_wait3A_373] : memref<1000x128xf32, #tpu.memory_space<hbm>> -> memref<112x128xf32, #tpu.memory_space<hbm>>
      tpu.wait_dma2 semaphore(%arg47 : memref<!tpu.dma_semaphore, #tpu.memory_space<semaphore_mem>>) src(%dma_wait3A_374 : memref<112x128xf32, #tpu.memory_space<hbm>>) dst(%arg26 : memref<112x128xf32, #tpu.memory_space<vmem>>)
      %mul3A_375 = arith.constant 112 : i32
      %mul3A_376 = arith.muli %add3A_368, %mul3A_375 : i32
      %add3A_377 = arith.addi %min3A_3, %mul3A_376 : i32
      %dma_start3A_378 = arith.constant 0 : i32
      %dma_start3A_379 = tpu.memref_slice %arg6[%add3A_377, %dma_start3A_378] : memref<100000x128xf32, #tpu.memory_space<hbm>> -> memref<112x128xf32, #tpu.memory_space<hbm>>
      %dma_start3A_380 = arith.constant 0 : i32
      %dma_start3A_381 = tpu.memref_slice %arg6[%add3A_377, %dma_start3A_380] : memref<100000x128xf32, #tpu.memory_space<hbm>> -> memref<112x128xf32, #tpu.memory_space<hbm>>
      tpu.enqueue_dma source(%arg26 : memref<112x128xf32, #tpu.memory_space<vmem>>) target(%dma_start3A_381 : memref<112x128xf32, #tpu.memory_space<hbm>>) target_semaphore(%arg54 : memref<!tpu.dma_semaphore, #tpu.memory_space<semaphore_mem>>)
      %add3A_382 = arith.constant 3 : i32
      %add3A_383 = arith.addi %add3A_368, %add3A_382 : i32
      %lt3A_384 = arith.constant 28 : i32
      %lt3A_385 = arith.cmpi slt, %add3A_383, %lt3A_384 : i32
      %convert_element_type3A_386 = arith.extui %lt3A_385 : i1 to i32
      %cond3A_387 = arith.constant 0 : i32
      %cond3A_388 = arith.cmpi ne, %convert_element_type3A_386, %cond3A_387 : i32
      scf.if %cond3A_388 {
        %dma_wait3A_441 = arith.constant 0 : i32
        %dma_wait3A_442 = arith.constant 0 : i32
        %dma_wait3A_443 = tpu.memref_slice %arg4[%dma_wait3A_441, %dma_wait3A_442] : memref<100000x128xf32, #tpu.memory_space<hbm>> -> memref<112x128xf32, #tpu.memory_space<hbm>>
        %dma_wait3A_444 = arith.constant 0 : i32
        %dma_wait3A_445 = arith.constant 0 : i32
        %dma_wait3A_446 = tpu.memref_slice %arg4[%dma_wait3A_444, %dma_wait3A_445] : memref<100000x128xf32, #tpu.memory_space<hbm>> -> memref<112x128xf32, #tpu.memory_space<hbm>>
        tpu.wait_dma2 semaphore(%arg36 : memref<!tpu.dma_semaphore, #tpu.memory_space<semaphore_mem>>) src(%dma_wait3A_446 : memref<112x128xf32, #tpu.memory_space<hbm>>) dst(%arg22 : memref<112x128xf32, #tpu.memory_space<vmem>>)
        %dma_start3A_447 = arith.constant 0 : i32
        %dma_start3A_448 = arith.constant 0 : i32
        %dma_start3A_449 = tpu.memref_slice %arg56[%dma_start3A_447, %dma_start3A_448] : memref<1000x128xf32, #tpu.memory_space<vmem_shared>> -> memref<1000x128xf32, #tpu.memory_space<vmem_shared>>
        tpu.enqueue_indirect_dma source(%dma_start3A_449 : memref<1000x128xf32, #tpu.memory_space<vmem_shared>>) target(%arg22 : memref<112x128xf32, #tpu.memory_space<vmem>>) offsets(%arg15 : memref<112xi32, #tpu.memory_space<vmem>>) semaphore(%arg43 : memref<!tpu.dma_semaphore, #tpu.memory_space<semaphore_mem>>) {add = true}
      } else {
      }
      %add3A_389 = arith.constant 5 : i32
      %add3A_390 = arith.addi %add3A_368, %add3A_389 : i32
      %lt3A_391 = arith.constant 28 : i32
      %lt3A_392 = arith.cmpi slt, %add3A_390, %lt3A_391 : i32
      %convert_element_type3A_393 = arith.extui %lt3A_392 : i1 to i32
      %cond3A_394 = arith.constant 0 : i32
      %cond3A_395 = arith.cmpi ne, %convert_element_type3A_393, %cond3A_394 : i32
      scf.if %cond3A_395 {
        %ge3A = arith.constant 2 : i32
        %ge3A_441 = arith.cmpi sge, %add3A_368, %ge3A : i32
        %convert_element_type3A_442 = arith.extui %ge3A_441 : i1 to i32
        %cond3A_443 = arith.constant 0 : i32
        %cond3A_444 = arith.cmpi ne, %convert_element_type3A_442, %cond3A_443 : i32
        scf.if %cond3A_444 {
          %dma_wait3A_456 = arith.constant 0 : i32
          %dma_wait3A_457 = arith.constant 0 : i32
          %dma_wait3A_458 = tpu.memref_slice %arg6[%dma_wait3A_456, %dma_wait3A_457] : memref<100000x128xf32, #tpu.memory_space<hbm>> -> memref<112x128xf32, #tpu.memory_space<hbm>>
          %dma_wait3A_459 = arith.constant 0 : i32
          %dma_wait3A_460 = arith.constant 0 : i32
          %dma_wait3A_461 = tpu.memref_slice %arg6[%dma_wait3A_459, %dma_wait3A_460] : memref<100000x128xf32, #tpu.memory_space<hbm>> -> memref<112x128xf32, #tpu.memory_space<hbm>>
          tpu.wait_dma2 semaphore(%arg52 : memref<!tpu.dma_semaphore, #tpu.memory_space<semaphore_mem>>) src(%arg24 : memref<112x128xf32, #tpu.memory_space<vmem>>) dst(%dma_wait3A_461 : memref<112x128xf32, #tpu.memory_space<hbm>>)
        } else {
        }
        %dma_wait3A_445 = arith.constant 0 : i32
        %dma_wait3A_446 = tpu.memref_slice %arg2[%dma_wait3A_445] : memref<100000xi32, #tpu.memory_space<hbm>> -> memref<112xi32, #tpu.memory_space<hbm>>
        %dma_wait3A_447 = arith.constant 0 : i32
        %dma_wait3A_448 = tpu.memref_slice %arg2[%dma_wait3A_447] : memref<100000xi32, #tpu.memory_space<hbm>> -> memref<112xi32, #tpu.memory_space<hbm>>
        tpu.wait_dma2 semaphore(%arg31 : memref<!tpu.dma_semaphore, #tpu.memory_space<semaphore_mem>>) src(%dma_wait3A_448 : memref<112xi32, #tpu.memory_space<hbm>>) dst(%arg10 : memref<112xi32, #tpu.memory_space<vmem>>)
        %dma_wait3A_449 = arith.constant 0 : i32
        %dma_wait3A_450 = tpu.memref_slice %arg3[%dma_wait3A_449] : memref<100000xi32, #tpu.memory_space<hbm>> -> memref<112xi32, #tpu.memory_space<hbm>>
        %dma_wait3A_451 = arith.constant 0 : i32
        %dma_wait3A_452 = tpu.memref_slice %arg3[%dma_wait3A_451] : memref<100000xi32, #tpu.memory_space<hbm>> -> memref<112xi32, #tpu.memory_space<hbm>>
        tpu.wait_dma2 semaphore(%arg31 : memref<!tpu.dma_semaphore, #tpu.memory_space<semaphore_mem>>) src(%dma_wait3A_452 : memref<112xi32, #tpu.memory_space<hbm>>) dst(%arg17 : memref<112xi32, #tpu.memory_space<vmem>>)
        %dma_start3A_453 = arith.constant 0 : i32
        %dma_start3A_454 = arith.constant 0 : i32
        %dma_start3A_455 = tpu.memref_slice %arg4[%dma_start3A_453, %dma_start3A_454] : memref<100000x128xf32, #tpu.memory_space<hbm>> -> memref<100000x128xf32, #tpu.memory_space<hbm>>
        tpu.enqueue_indirect_dma source(%dma_start3A_455 : memref<100000x128xf32, #tpu.memory_space<hbm>>) target(%arg24 : memref<112x128xf32, #tpu.memory_space<vmem>>) offsets(%arg10 : memref<112xi32, #tpu.memory_space<vmem>>) semaphore(%arg38 : memref<!tpu.dma_semaphore, #tpu.memory_space<semaphore_mem>>)
      } else {
      }
      %add3A_396 = arith.constant 7 : i32
      %add3A_397 = arith.addi %add3A_368, %add3A_396 : i32
      %lt3A_398 = arith.constant 28 : i32
      %lt3A_399 = arith.cmpi slt, %add3A_397, %lt3A_398 : i32
      %convert_element_type3A_400 = arith.extui %lt3A_399 : i1 to i32
      %cond3A_401 = arith.constant 0 : i32
      %cond3A_402 = arith.cmpi ne, %convert_element_type3A_400, %cond3A_401 : i32
      scf.if %cond3A_402 {
        %add3A_441 = arith.constant 7 : i32
        %add3A_442 = arith.addi %add3A_368, %add3A_441 : i32
        %mul3A_443 = arith.constant 112 : i32
        %mul3A_444 = arith.muli %add3A_442, %mul3A_443 : i32
        %add3A_445 = arith.addi %min3A_3, %mul3A_444 : i32
        %dma_start3A_446 = tpu.memref_slice %arg2[%add3A_445] : memref<100000xi32, #tpu.memory_space<hbm>> -> memref<112xi32, #tpu.memory_space<hbm>>
        %dma_start3A_447 = tpu.memref_slice %arg2[%add3A_445] : memref<100000xi32, #tpu.memory_space<hbm>> -> memref<112xi32, #tpu.memory_space<hbm>>
        tpu.enqueue_dma source(%dma_start3A_447 : memref<112xi32, #tpu.memory_space<hbm>>) target(%arg12 : memref<112xi32, #tpu.memory_space<vmem>>) target_semaphore(%arg33 : memref<!tpu.dma_semaphore, #tpu.memory_space<semaphore_mem>>)
        %dma_start3A_448 = tpu.memref_slice %arg3[%add3A_445] : memref<100000xi32, #tpu.memory_space<hbm>> -> memref<112xi32, #tpu.memory_space<hbm>>
        %dma_start3A_449 = tpu.memref_slice %arg3[%add3A_445] : memref<100000xi32, #tpu.memory_space<hbm>> -> memref<112xi32, #tpu.memory_space<hbm>>
        tpu.enqueue_dma source(%dma_start3A_449 : memref<112xi32, #tpu.memory_space<hbm>>) target(%arg19 : memref<112xi32, #tpu.memory_space<vmem>>) target_semaphore(%arg33 : memref<!tpu.dma_semaphore, #tpu.memory_space<semaphore_mem>>)
      } else {
      }
      %mul3A_403 = arith.constant 7 : i32
      %mul3A_404 = arith.muli %scan3A_175, %mul3A_403 : i32
      %add3A_405 = arith.constant 6 : i32
      %add3A_406 = arith.addi %mul3A_404, %add3A_405 : i32
      %dma_wait3A_407 = arith.constant 0 : i32
      %dma_wait3A_408 = arith.constant 0 : i32
      %dma_wait3A_409 = tpu.memref_slice %arg5[%dma_wait3A_407, %dma_wait3A_408] : memref<1000x128xf32, #tpu.memory_space<hbm>> -> memref<112x128xf32, #tpu.memory_space<hbm>>
      %dma_wait3A_410 = arith.constant 0 : i32
      %dma_wait3A_411 = arith.constant 0 : i32
      %dma_wait3A_412 = tpu.memref_slice %arg5[%dma_wait3A_410, %dma_wait3A_411] : memref<1000x128xf32, #tpu.memory_space<hbm>> -> memref<112x128xf32, #tpu.memory_space<hbm>>
      tpu.wait_dma2 semaphore(%arg48 : memref<!tpu.dma_semaphore, #tpu.memory_space<semaphore_mem>>) src(%dma_wait3A_412 : memref<112x128xf32, #tpu.memory_space<hbm>>) dst(%arg27 : memref<112x128xf32, #tpu.memory_space<vmem>>)
      %mul3A_413 = arith.constant 112 : i32
      %mul3A_414 = arith.muli %add3A_406, %mul3A_413 : i32
      %add3A_415 = arith.addi %min3A_3, %mul3A_414 : i32
      %dma_start3A_416 = arith.constant 0 : i32
      %dma_start3A_417 = tpu.memref_slice %arg6[%add3A_415, %dma_start3A_416] : memref<100000x128xf32, #tpu.memory_space<hbm>> -> memref<112x128xf32, #tpu.memory_space<hbm>>
      %dma_start3A_418 = arith.constant 0 : i32
      %dma_start3A_419 = tpu.memref_slice %arg6[%add3A_415, %dma_start3A_418] : memref<100000x128xf32, #tpu.memory_space<hbm>> -> memref<112x128xf32, #tpu.memory_space<hbm>>
      tpu.enqueue_dma source(%arg27 : memref<112x128xf32, #tpu.memory_space<vmem>>) target(%dma_start3A_419 : memref<112x128xf32, #tpu.memory_space<hbm>>) target_semaphore(%arg55 : memref<!tpu.dma_semaphore, #tpu.memory_space<semaphore_mem>>)
      %add3A_420 = arith.constant 3 : i32
      %add3A_421 = arith.addi %add3A_406, %add3A_420 : i32
      %lt3A_422 = arith.constant 28 : i32
      %lt3A_423 = arith.cmpi slt, %add3A_421, %lt3A_422 : i32
      %convert_element_type3A_424 = arith.extui %lt3A_423 : i1 to i32
      %cond3A_425 = arith.constant 0 : i32
      %cond3A_426 = arith.cmpi ne, %convert_element_type3A_424, %cond3A_425 : i32
      scf.if %cond3A_426 {
        %dma_wait3A_441 = arith.constant 0 : i32
        %dma_wait3A_442 = arith.constant 0 : i32
        %dma_wait3A_443 = tpu.memref_slice %arg4[%dma_wait3A_441, %dma_wait3A_442] : memref<100000x128xf32, #tpu.memory_space<hbm>> -> memref<112x128xf32, #tpu.memory_space<hbm>>
        %dma_wait3A_444 = arith.constant 0 : i32
        %dma_wait3A_445 = arith.constant 0 : i32
        %dma_wait3A_446 = tpu.memref_slice %arg4[%dma_wait3A_444, %dma_wait3A_445] : memref<100000x128xf32, #tpu.memory_space<hbm>> -> memref<112x128xf32, #tpu.memory_space<hbm>>
        tpu.wait_dma2 semaphore(%arg37 : memref<!tpu.dma_semaphore, #tpu.memory_space<semaphore_mem>>) src(%dma_wait3A_446 : memref<112x128xf32, #tpu.memory_space<hbm>>) dst(%arg23 : memref<112x128xf32, #tpu.memory_space<vmem>>)
        %dma_start3A_447 = arith.constant 0 : i32
        %dma_start3A_448 = arith.constant 0 : i32
        %dma_start3A_449 = tpu.memref_slice %arg56[%dma_start3A_447, %dma_start3A_448] : memref<1000x128xf32, #tpu.memory_space<vmem_shared>> -> memref<1000x128xf32, #tpu.memory_space<vmem_shared>>
        tpu.enqueue_indirect_dma source(%dma_start3A_449 : memref<1000x128xf32, #tpu.memory_space<vmem_shared>>) target(%arg23 : memref<112x128xf32, #tpu.memory_space<vmem>>) offsets(%arg16 : memref<112xi32, #tpu.memory_space<vmem>>) semaphore(%arg44 : memref<!tpu.dma_semaphore, #tpu.memory_space<semaphore_mem>>) {add = true}
      } else {
      }
      %add3A_427 = arith.constant 5 : i32
      %add3A_428 = arith.addi %add3A_406, %add3A_427 : i32
      %lt3A_429 = arith.constant 28 : i32
      %lt3A_430 = arith.cmpi slt, %add3A_428, %lt3A_429 : i32
      %convert_element_type3A_431 = arith.extui %lt3A_430 : i1 to i32
      %cond3A_432 = arith.constant 0 : i32
      %cond3A_433 = arith.cmpi ne, %convert_element_type3A_431, %cond3A_432 : i32
      scf.if %cond3A_433 {
        %ge3A = arith.constant 2 : i32
        %ge3A_441 = arith.cmpi sge, %add3A_406, %ge3A : i32
        %convert_element_type3A_442 = arith.extui %ge3A_441 : i1 to i32
        %cond3A_443 = arith.constant 0 : i32
        %cond3A_444 = arith.cmpi ne, %convert_element_type3A_442, %cond3A_443 : i32
        scf.if %cond3A_444 {
          %dma_wait3A_456 = arith.constant 0 : i32
          %dma_wait3A_457 = arith.constant 0 : i32
          %dma_wait3A_458 = tpu.memref_slice %arg6[%dma_wait3A_456, %dma_wait3A_457] : memref<100000x128xf32, #tpu.memory_space<hbm>> -> memref<112x128xf32, #tpu.memory_space<hbm>>
          %dma_wait3A_459 = arith.constant 0 : i32
          %dma_wait3A_460 = arith.constant 0 : i32
          %dma_wait3A_461 = tpu.memref_slice %arg6[%dma_wait3A_459, %dma_wait3A_460] : memref<100000x128xf32, #tpu.memory_space<hbm>> -> memref<112x128xf32, #tpu.memory_space<hbm>>
          tpu.wait_dma2 semaphore(%arg53 : memref<!tpu.dma_semaphore, #tpu.memory_space<semaphore_mem>>) src(%arg25 : memref<112x128xf32, #tpu.memory_space<vmem>>) dst(%dma_wait3A_461 : memref<112x128xf32, #tpu.memory_space<hbm>>)
        } else {
        }
        %dma_wait3A_445 = arith.constant 0 : i32
        %dma_wait3A_446 = tpu.memref_slice %arg2[%dma_wait3A_445] : memref<100000xi32, #tpu.memory_space<hbm>> -> memref<112xi32, #tpu.memory_space<hbm>>
        %dma_wait3A_447 = arith.constant 0 : i32
        %dma_wait3A_448 = tpu.memref_slice %arg2[%dma_wait3A_447] : memref<100000xi32, #tpu.memory_space<hbm>> -> memref<112xi32, #tpu.memory_space<hbm>>
        tpu.wait_dma2 semaphore(%arg32 : memref<!tpu.dma_semaphore, #tpu.memory_space<semaphore_mem>>) src(%dma_wait3A_448 : memref<112xi32, #tpu.memory_space<hbm>>) dst(%arg11 : memref<112xi32, #tpu.memory_space<vmem>>)
        %dma_wait3A_449 = arith.constant 0 : i32
        %dma_wait3A_450 = tpu.memref_slice %arg3[%dma_wait3A_449] : memref<100000xi32, #tpu.memory_space<hbm>> -> memref<112xi32, #tpu.memory_space<hbm>>
        %dma_wait3A_451 = arith.constant 0 : i32
        %dma_wait3A_452 = tpu.memref_slice %arg3[%dma_wait3A_451] : memref<100000xi32, #tpu.memory_space<hbm>> -> memref<112xi32, #tpu.memory_space<hbm>>
        tpu.wait_dma2 semaphore(%arg32 : memref<!tpu.dma_semaphore, #tpu.memory_space<semaphore_mem>>) src(%dma_wait3A_452 : memref<112xi32, #tpu.memory_space<hbm>>) dst(%arg18 : memref<112xi32, #tpu.memory_space<vmem>>)
        %dma_start3A_453 = arith.constant 0 : i32
        %dma_start3A_454 = arith.constant 0 : i32
        %dma_start3A_455 = tpu.memref_slice %arg4[%dma_start3A_453, %dma_start3A_454] : memref<100000x128xf32, #tpu.memory_space<hbm>> -> memref<100000x128xf32, #tpu.memory_space<hbm>>
        tpu.enqueue_indirect_dma source(%dma_start3A_455 : memref<100000x128xf32, #tpu.memory_space<hbm>>) target(%arg25 : memref<112x128xf32, #tpu.memory_space<vmem>>) offsets(%arg11 : memref<112xi32, #tpu.memory_space<vmem>>) semaphore(%arg39 : memref<!tpu.dma_semaphore, #tpu.memory_space<semaphore_mem>>)
      } else {
      }
      %add3A_434 = arith.constant 7 : i32
      %add3A_435 = arith.addi %add3A_406, %add3A_434 : i32
      %lt3A_436 = arith.constant 28 : i32
      %lt3A_437 = arith.cmpi slt, %add3A_435, %lt3A_436 : i32
      %convert_element_type3A_438 = arith.extui %lt3A_437 : i1 to i32
      %cond3A_439 = arith.constant 0 : i32
      %cond3A_440 = arith.cmpi ne, %convert_element_type3A_438, %cond3A_439 : i32
      scf.if %cond3A_440 {
        %add3A_441 = arith.constant 7 : i32
        %add3A_442 = arith.addi %add3A_406, %add3A_441 : i32
        %mul3A_443 = arith.constant 112 : i32
        %mul3A_444 = arith.muli %add3A_442, %mul3A_443 : i32
        %add3A_445 = arith.addi %min3A_3, %mul3A_444 : i32
        %dma_start3A_446 = tpu.memref_slice %arg2[%add3A_445] : memref<100000xi32, #tpu.memory_space<hbm>> -> memref<112xi32, #tpu.memory_space<hbm>>
        %dma_start3A_447 = tpu.memref_slice %arg2[%add3A_445] : memref<100000xi32, #tpu.memory_space<hbm>> -> memref<112xi32, #tpu.memory_space<hbm>>
        tpu.enqueue_dma source(%dma_start3A_447 : memref<112xi32, #tpu.memory_space<hbm>>) target(%arg13 : memref<112xi32, #tpu.memory_space<vmem>>) target_semaphore(%arg34 : memref<!tpu.dma_semaphore, #tpu.memory_space<semaphore_mem>>)
        %dma_start3A_448 = tpu.memref_slice %arg3[%add3A_445] : memref<100000xi32, #tpu.memory_space<hbm>> -> memref<112xi32, #tpu.memory_space<hbm>>
        %dma_start3A_449 = tpu.memref_slice %arg3[%add3A_445] : memref<100000xi32, #tpu.memory_space<hbm>> -> memref<112xi32, #tpu.memory_space<hbm>>
        tpu.enqueue_dma source(%dma_start3A_449 : memref<112xi32, #tpu.memory_space<hbm>>) target(%arg20 : memref<112xi32, #tpu.memory_space<vmem>>) target_semaphore(%arg34 : memref<!tpu.dma_semaphore, #tpu.memory_space<semaphore_mem>>)
      } else {
      }
    }
    %scan3A_132 = arith.constant 4 : i32
    %dma_wait3A_133 = arith.constant 0 : i32
    %dma_wait3A_134 = arith.constant 0 : i32
    %dma_wait3A_135 = tpu.memref_slice %arg6[%dma_wait3A_133, %dma_wait3A_134] : memref<100000x128xf32, #tpu.memory_space<hbm>> -> memref<112x128xf32, #tpu.memory_space<hbm>>
    %dma_wait3A_136 = arith.constant 0 : i32
    %dma_wait3A_137 = arith.constant 0 : i32
    %dma_wait3A_138 = tpu.memref_slice %arg6[%dma_wait3A_136, %dma_wait3A_137] : memref<100000x128xf32, #tpu.memory_space<hbm>> -> memref<112x128xf32, #tpu.memory_space<hbm>>
    tpu.wait_dma2 semaphore(%arg49 : memref<!tpu.dma_semaphore, #tpu.memory_space<semaphore_mem>>) src(%arg21 : memref<112x128xf32, #tpu.memory_space<vmem>>) dst(%dma_wait3A_138 : memref<112x128xf32, #tpu.memory_space<hbm>>)
    %dma_wait3A_139 = arith.constant 0 : i32
    %dma_wait3A_140 = arith.constant 0 : i32
    %dma_wait3A_141 = tpu.memref_slice %arg6[%dma_wait3A_139, %dma_wait3A_140] : memref<100000x128xf32, #tpu.memory_space<hbm>> -> memref<112x128xf32, #tpu.memory_space<hbm>>
    %dma_wait3A_142 = arith.constant 0 : i32
    %dma_wait3A_143 = arith.constant 0 : i32
    %dma_wait3A_144 = tpu.memref_slice %arg6[%dma_wait3A_142, %dma_wait3A_143] : memref<100000x128xf32, #tpu.memory_space<hbm>> -> memref<112x128xf32, #tpu.memory_space<hbm>>
    tpu.wait_dma2 semaphore(%arg50 : memref<!tpu.dma_semaphore, #tpu.memory_space<semaphore_mem>>) src(%arg22 : memref<112x128xf32, #tpu.memory_space<vmem>>) dst(%dma_wait3A_144 : memref<112x128xf32, #tpu.memory_space<hbm>>)
    %dma_wait3A_145 = arith.constant 0 : i32
    %dma_wait3A_146 = arith.constant 0 : i32
    %dma_wait3A_147 = tpu.memref_slice %arg6[%dma_wait3A_145, %dma_wait3A_146] : memref<100000x128xf32, #tpu.memory_space<hbm>> -> memref<112x128xf32, #tpu.memory_space<hbm>>
    %dma_wait3A_148 = arith.constant 0 : i32
    %dma_wait3A_149 = arith.constant 0 : i32
    %dma_wait3A_150 = tpu.memref_slice %arg6[%dma_wait3A_148, %dma_wait3A_149] : memref<100000x128xf32, #tpu.memory_space<hbm>> -> memref<112x128xf32, #tpu.memory_space<hbm>>
    tpu.wait_dma2 semaphore(%arg51 : memref<!tpu.dma_semaphore, #tpu.memory_space<semaphore_mem>>) src(%arg23 : memref<112x128xf32, #tpu.memory_space<vmem>>) dst(%dma_wait3A_150 : memref<112x128xf32, #tpu.memory_space<hbm>>)
    %dma_wait3A_151 = arith.constant 0 : i32
    %dma_wait3A_152 = arith.constant 0 : i32
    %dma_wait3A_153 = tpu.memref_slice %arg6[%dma_wait3A_151, %dma_wait3A_152] : memref<100000x128xf32, #tpu.memory_space<hbm>> -> memref<112x128xf32, #tpu.memory_space<hbm>>
    %dma_wait3A_154 = arith.constant 0 : i32
    %dma_wait3A_155 = arith.constant 0 : i32
    %dma_wait3A_156 = tpu.memref_slice %arg6[%dma_wait3A_154, %dma_wait3A_155] : memref<100000x128xf32, #tpu.memory_space<hbm>> -> memref<112x128xf32, #tpu.memory_space<hbm>>
    tpu.wait_dma2 semaphore(%arg52 : memref<!tpu.dma_semaphore, #tpu.memory_space<semaphore_mem>>) src(%arg24 : memref<112x128xf32, #tpu.memory_space<vmem>>) dst(%dma_wait3A_156 : memref<112x128xf32, #tpu.memory_space<hbm>>)
    %dma_wait3A_157 = arith.constant 0 : i32
    %dma_wait3A_158 = arith.constant 0 : i32
    %dma_wait3A_159 = tpu.memref_slice %arg6[%dma_wait3A_157, %dma_wait3A_158] : memref<100000x128xf32, #tpu.memory_space<hbm>> -> memref<112x128xf32, #tpu.memory_space<hbm>>
    %dma_wait3A_160 = arith.constant 0 : i32
    %dma_wait3A_161 = arith.constant 0 : i32
    %dma_wait3A_162 = tpu.memref_slice %arg6[%dma_wait3A_160, %dma_wait3A_161] : memref<100000x128xf32, #tpu.memory_space<hbm>> -> memref<112x128xf32, #tpu.memory_space<hbm>>
    tpu.wait_dma2 semaphore(%arg53 : memref<!tpu.dma_semaphore, #tpu.memory_space<semaphore_mem>>) src(%arg25 : memref<112x128xf32, #tpu.memory_space<vmem>>) dst(%dma_wait3A_162 : memref<112x128xf32, #tpu.memory_space<hbm>>)
    %dma_wait3A_163 = arith.constant 0 : i32
    %dma_wait3A_164 = arith.constant 0 : i32
    %dma_wait3A_165 = tpu.memref_slice %arg6[%dma_wait3A_163, %dma_wait3A_164] : memref<100000x128xf32, #tpu.memory_space<hbm>> -> memref<112x128xf32, #tpu.memory_space<hbm>>
    %dma_wait3A_166 = arith.constant 0 : i32
    %dma_wait3A_167 = arith.constant 0 : i32
    %dma_wait3A_168 = tpu.memref_slice %arg6[%dma_wait3A_166, %dma_wait3A_167] : memref<100000x128xf32, #tpu.memory_space<hbm>> -> memref<112x128xf32, #tpu.memory_space<hbm>>
    tpu.wait_dma2 semaphore(%arg54 : memref<!tpu.dma_semaphore, #tpu.memory_space<semaphore_mem>>) src(%arg26 : memref<112x128xf32, #tpu.memory_space<vmem>>) dst(%dma_wait3A_168 : memref<112x128xf32, #tpu.memory_space<hbm>>)
    %dma_wait3A_169 = arith.constant 0 : i32
    %dma_wait3A_170 = arith.constant 0 : i32
    %dma_wait3A_171 = tpu.memref_slice %arg6[%dma_wait3A_169, %dma_wait3A_170] : memref<100000x128xf32, #tpu.memory_space<hbm>> -> memref<112x128xf32, #tpu.memory_space<hbm>>
    %dma_wait3A_172 = arith.constant 0 : i32
    %dma_wait3A_173 = arith.constant 0 : i32
    %dma_wait3A_174 = tpu.memref_slice %arg6[%dma_wait3A_172, %dma_wait3A_173] : memref<100000x128xf32, #tpu.memory_space<hbm>> -> memref<112x128xf32, #tpu.memory_space<hbm>>
    tpu.wait_dma2 semaphore(%arg55 : memref<!tpu.dma_semaphore, #tpu.memory_space<semaphore_mem>>) src(%arg27 : memref<112x128xf32, #tpu.memory_space<vmem>>) dst(%dma_wait3A_174 : memref<112x128xf32, #tpu.memory_space<hbm>>)
    return
  }
}

</mosaic_0001>

<sc_bundles>
// kernel: kernel.3.cloned.1.call-start
scs
__scs_entry_jumppad:
0x0: {  	(pc) =	sbr.rel $0x88, $3  }
0x1: {  	(tag) =	ssettag $0x0;
	lr =	simm.s32 $0x1  }
0x2: {  	[smem:$0x3F9D] =	sst lr;
	_ =	strace $0xD0000000  }
0x3: {  	_ = 	snop  }
0x4: {  	_ = 	snop  }
0x5: {  	_ = 	snop  }
0x6: {  	_ = 	snop  }
0x7: {  	_ = 	snop  }
__scs_overlays_trampoline_lowered:
0x8: {  	[smem:$0x3FAC] =	sst s0  }
0x9: {  	[smem:$0x3FAD] =	sst s1  }
0xa: {  	[smem:$0x3FAE] =	sst s2  }
0xb: {  	[smem:$0x3FAF] =	sst s3  }
0xc: {  	[smem:$0x3FB0] =	sst s4  }
0xd: {  	[smem:$0x3FB1] =	sst s5  }
0xe: {  	[smem:$0x3FB2] =	sst s6  }
0xf: {  	[smem:$0x3FB3] =	sst s7  }
0x10: {  	[smem:$0x3FB4] =	sst s8  }
0x11: {  	[smem:$0x3FB5] =	sst s9;
	s0 =	simm.s32 @!p0 $0x0  }
0x12: {  	s1 =	sld [smem:$0x3F9B];
	s0 =	simm.s32 @p0 $0x1  }
0x13: {  	[smem:$0x3FB6] =	sst s0;
	s0 =	simm.s32 @!p1 $0x0  }
0x14: {  	s2 =	sld [smem:$0x3F9A];
	s0 =	simm.s32 @p1 $0x1  }
0x15: {  	[smem:$0x3FB7] =	sst s0;
	s0 =	simm.s32 @!p2 $0x0  }
0x16: {  	s3 =	sld [smem:$0x3FDB];
	s0 =	simm.s32 @p2 $0x1  }
0x17: {  	s4 =	simm.s32 $0x1BF5;
	[smem:$0x3FB9] =	sst s0  }
0x18: {  	s0 =	sld [smem:$0x3F9C];
	_ =	swait.ge [sflag:s4], $0x0  }
0x19: {  	s7 =	sld [smem:$0x3F9D]  }
0x1a: {  	s8 =	sadd.s32 $0xFFFFE003, lr  }
0x1b: {  	s9 =	sadd.s32 $0xFFFFFEF7, lr;
	s5 =	simm.s32 $0xFFFFFFFF;
	p2 =	slt.u32 s8, $0xFFFFF086  }
0x1c: {  	p1 =	slt.u32 s9, $0xF7A;
	s5 =	simm.s32 @!p2 $0x0  }
0x1d: {  	s5 =	simm.s32 @p1 $0x1;
	p0 =	seq.s32 s7, s2  }
0x1e: {  	s7 =	smul.u32 @!p0 $0xF7A, s2;
	p2 =	seq.s32 @!p0 s5, $0x0  }
0x1f: {  	s9 =	smul.u32 $0xF7A, s1;
	s8 =	simm.s32 @!p0 $0x1BF5;
	p2 =	por !p2, p0  }
0x20: {  	[sflag:s8] =	ssyncset.s32 @!p0 $0xFFFFF086;
	s6 =	sadd.s32 @!p0 s3, s7;
	s7 =	simm.s32 @!p0 $0x108  }
0x21: {  	s3 =	sadd.s32 s3, s9;
	s6 =	sadd.s32 @!p0 $0x88, s6;
	s7 =	simm.s32 @p2 $0x1082  }
0x22: {  	[simem:s7], [sflag:s8] =	dma.local @!p0 [hbm:s6], $0xF7A  }
0x23: {  	s9 =	sor.u32 $0xD0000000, s2;
	s6 =	simm.s32 $0x108;
	_ =	swait.ge @!p0 [sflag:s8], $0x0  }
0x24: {  	s3 =	sadd.s32 $0x88, s3;
	s6 =	simm.s32 @!p1 $0x1082;
	[sflag:s4] =	ssyncset.s32 $0xFFFFF086  }
0x25: {  	[simem:s6], [sflag:s4] =	dma.local [hbm:s3], $0xF7A  }
0x26: {  	[smem:$0x3F9D] =	sst s1;
	(tag) =	ssettag s2;
	_ =	strace s9  }
0x27: {  	s1 =	sld [smem:$0x3FAD]  }
0x28: {  	s2 =	sld [smem:$0x3FAE]  }
0x29: {  	s4 =	sld [smem:$0x3FB0]  }
0x2a: {  	p0 =	seq.s32 s5, $0x0;
	s5 =	sld [smem:$0x3FB1]  }
0x2b: {  	s6 =	sld [smem:$0x3FB2]  }
0x2c: {  	s7 =	sld [smem:$0x3FB3]  }
0x2d: {  	s3 =	simm.s32 $0x108;
	s8 =	sld [smem:$0x3FB4]  }
0x2e: {  	s3 =	simm.s32 @!p0 $0x1082;
	s9 =	sld [smem:$0x3FB5]  }
0x2f: {  	lr =	sadd.s32 s0, s3;
	s0 =	sld [smem:$0x3FAC]  }
0x30: {  	s3 =	sld [smem:$0x3FAF]  }
0x31: {  	[smem:$0x3FB8] =	sst s10  }
0x32: {  	s10 =	sld [smem:$0x3FB6];
	_ =	sdelay $0x3  }
0x33: {  	p0 =	seq.s32 s10, $0x1;
	s10 =	sld [smem:$0x3FB8];
	_ =	sdelay $0x3  }
0x34: {  	[smem:$0x3FB8] =	sst s10  }
0x35: {  	s10 =	sld [smem:$0x3FB7];
	_ =	sdelay $0x3  }
0x36: {  	p1 =	seq.s32 s10, $0x1;
	s10 =	sld [smem:$0x3FB8];
	_ =	sdelay $0x3  }
0x37: {  	[smem:$0x3FB8] =	sst s10  }
0x38: {  	s10 =	sld [smem:$0x3FB9]  }
0x39: {  	_ = 	snop;
	(pc) =	sbr.ind lr, $3  }
0x3a: {  	_ = 	snop  }
0x3b: {  	_ = 	snop  }
0x3c: {  	p2 =	seq.s32 s10, $0x1;
	s10 =	sld [smem:$0x3FB8]  }
0x3d: {  	_ =	shalt  }
0x3e: {  	_ =	shalt  }
0x3f: {  	_ =	shalt  }
0x40: {  	_ =	shalt  }
0x41: {  	_ =	shalt  }
0x42: {  	_ =	shalt  }
0x43: {  	_ =	shalt  }
0x44: {  	_ =	shalt  }
0x45: {  	_ =	shalt  }
0x46: {  	_ =	shalt  }
0x47: {  	_ =	shalt  }
0x48: {  	_ =	shalt  }
0x49: {  	_ =	shalt  }
0x4a: {  	_ =	shalt  }
0x4b: {  	_ =	shalt  }
0x4c: {  	_ =	shalt  }
0x4d: {  	_ =	shalt  }
0x4e: {  	_ =	shalt  }
0x4f: {  	_ =	shalt  }
0x50: {  	_ =	shalt  }
0x51: {  	_ =	shalt  }
0x52: {  	_ =	shalt  }
0x53: {  	_ =	shalt  }
0x54: {  	_ =	shalt  }
0x55: {  	_ =	shalt  }
0x56: {  	_ =	shalt  }
0x57: {  	_ =	shalt  }
0x58: {  	_ =	shalt  }
0x59: {  	_ =	shalt  }
0x5a: {  	_ =	shalt  }
0x5b: {  	_ =	shalt  }
0x5c: {  	_ =	shalt  }
0x5d: {  	_ =	shalt  }
0x5e: {  	_ =	shalt  }
0x5f: {  	_ =	shalt  }
0x60: {  	_ =	shalt  }
0x61: {  	_ =	shalt  }
0x62: {  	_ =	shalt  }
0x63: {  	_ =	shalt  }
0x64: {  	_ =	shalt  }
0x65: {  	_ =	shalt  }
0x66: {  	_ =	shalt  }
0x67: {  	_ =	shalt  }
0x68: {  	_ =	shalt  }
0x69: {  	_ =	shalt  }
0x6a: {  	_ =	shalt  }
0x6b: {  	_ =	shalt  }
0x6c: {  	_ =	shalt  }
0x6d: {  	_ =	shalt  }
0x6e: {  	_ =	shalt  }
0x6f: {  	_ =	shalt  }
0x70: {  	_ =	shalt  }
0x71: {  	_ =	shalt  }
0x72: {  	_ =	shalt  }
0x73: {  	_ =	shalt  }
0x74: {  	_ =	shalt  }
0x75: {  	_ =	shalt  }
0x76: {  	_ =	shalt  }
0x77: {  	_ =	shalt  }
0x78: {  	_ =	shalt  }
0x79: {  	_ =	shalt  }
0x7a: {  	_ =	shalt  }
0x7b: {  	_ =	shalt  }
0x7c: {  	_ =	shalt  }
0x7d: {  	_ =	shalt  }
0x7e: {  	_ =	shalt  }
0x7f: {  	_ =	shalt  }
0x80: {  	_ =	shalt  }
0x81: {  	_ =	shalt  }
0x82: {  	_ =	shalt  }
0x83: {  	_ =	shalt  }
0x84: {  	_ =	shalt  }
0x85: {  	_ =	shalt  }
0x86: {  	_ =	shalt  }
0x87: {  	_ =	shalt  }
.Lfunc_end0:
.L_simem_size_0:
called_computation_lowered:
.L_overlay_start_0:
0x88: {  	s2 =	sld [smem:$0x3FD9]  }
0x89: {  	s3 =	sld [smem:$0x3FFE];
	_ =	sdelay $0x1  }
0x8a: {  	s1 =	srdreg.scid  }
0x8b: {  	s0 =	sand.u32 $0x1, s1  }
0x8c: {  	s18 =	sshll.u32 s0, $0xA;
	s2 =	sadd.s32 s3, s2  }
0x8d: {  	s2 =	sadd.s32 s2, s18  }
0x8e: {  	[smem:$0x3FC4] =	sst s2  }
0x8f: {  	_ = 	snop  }
0x90: {  	s2 =	sld [smem:$0x3FC9]  }
0x91: {  	s19 =	sld [smem:$0x3FC8]  }
0x92: {  	s4 =	sld [smem:$0x3FC7]  }
0x93: {  	s5 =	sld [smem:$0x3FC6]  }
0x94: {  	s6 =	sld [smem:$0x3FD0];
	(tm) =	ssettm $0x1  }
0x95: {  	s7 =	sld [smem:$0x3FFB];
	_ =	sdelay $0x3  }
0x96: {  	_ =	strace s7  }
0x97: {  	s7 =	sld [smem:$0x3FFC];
	_ =	sdelay $0x3  }
0x98: {  	_ =	strace s7  }
0x99: {  	s7 =	sld [smem:$0x3FFD];
	_ =	sdelay $0x3  }
0x9a: {  	_ =	strace s7  }
0x9b: {  	_ =	strace $0x8FFFFFFF  }
0x9c: {  	s20 =	sld [smem:$0x3FDB];
	_ =	sdelay $0x1  }
0x9d: {  	s8 =	simm.s32 $_scs_section_size  }
0x9e: {  	s9 =	simm.s32 $_size__tile_overlayer_lowered;
	s10 =	simm.s32 $_tile_overlayer_lowered  }
0x9f: {  	s23 =	simm.s32 $0x1BFF;
	s22 =	sshll.u32 s10, $0x1;
	s7 =	sadd.s32 s8, s20  }
0xa0: {  	s11 =	simm.s32 $0x0;
	s21 =	sshll.u32 s9, $0x1;
	s9 =	sadd.s32 s22, s7  }
0xa1: {  	[timem:s11], [sflag:s23] =	dma.local [hbm:s9], s21  }
0xa2: {  	_ =	swait.ge [sflag:s23], s21  }
0xa3: {  	s8 =	ssub.s32 $0x0, s21;
	[sflag:s23] =	ssyncset.done $0x0  }
0xa4: {  	[sflag:s23] =	ssyncadd.s32 s8;
	_ =	sdelay $0x1  }
0xa5: {  	s24 =	simm.s32 $0x1B8B  }
0xa6: {  	_ =	swait.ge [sflag:s24], $0x1  }
0xa7: {  	[sflag:s24] =	ssyncset.done $0x0  }
0xa8: {  	s25 =	simm.s32 $0x1B8E;
	[sflag:s24] =	ssyncadd.s32 $0xFFFFFFFF  }
0xa9: {  	s26 =	simm.s32 $execute0_lowered;
	[smem:$0x3FD2] =	sst s25  }
0xaa: {  	s8 =	sshll.u32 s26, $0x1;
	_ =	strace $0x80000046;
	[dreg:$0x1] =	wrdreg $0xFFFFFFFF  }
0xab: {  	s28 =	simm.s32 $_size_execute0_lowered;
	s7 =	sadd.s32 s7, s8;
	[dreg:$0x0] =	wrdreg $0x0  }
0xac: {  	s8 =	sshll.u32 s28, $0x1;
	[dreg:$0x2] =	wrdreg s7  }
0xad: {  	[dreg:$0x3] =	wrdreg s8  }
0xae: {  	[dreg:$0x4] =	wrdreg $0xC0  }
0xaf: {  	_ =	task [dreg:s11], $0x5FFFF  }
0xb0: {  	[dreg:$0x1] =	wrdreg $0xFFFFFFFF  }
0xb1: {  	[dreg:$0x0] =	wrdreg $0x60  }
0xb2: {  	[dreg:$0x2] =	wrdreg s2  }
0xb3: {  	[dreg:$0x3] =	wrdreg s19  }
0xb4: {  	[dreg:$0x4] =	wrdreg s4  }
0xb5: {  	[dreg:$0x5] =	wrdreg s5  }
0xb6: {  	[dreg:$0x6] =	wrdreg s6  }
0xb7: {  	[dreg:$0x7] =	wrdreg $0x18F000  }
0xb8: {  	[dreg:$0x8] =	wrdreg $0x9  }
0xb9: {  	_ =	task.clear_ibuf [dreg:s11], $0x9FFFF;
	_ =	strace $0x90000046  }
0xba: {  	s29 =	simm.s32 $0x9;
	_ =	strace $0x80000048  }
0xbb: {  	_ =	swait.ge [sflag:s29], $0x1  }
0xbc: {  	[sflag:s29] =	ssyncadd.s32 $0xFFFFFFFF  }
0xbd: {  	_ =	strace $0x90000048  }
0xbe: {  	_ =	sfence  }
0xbf: {  	s30 =	sld [smem:$0x0];
	_ =	sdelay $0x2  }
0xc0: {  	s31 =	sshll.u32 s1, $0xD;
	s1 =	sshrl.u32 s1, $0x2  }
0xc1: {  	s3 =	sand.u32 $0x4000, s31;
	s1 =	sadd.s32 s1, s30  }
0xc2: {  	s0 =	sor.u32 s3, s0;
	s1 =	sshll.u32 s1, $0x11  }
0xc3: {  	s0 =	sor.u32 s1, s0  }
0xc4: {  	s0 =	sadd.s32 $0x8F2B, s0  }
0xc5: {  	[sflag:s0] =	ssyncadd.remote.s32 $0x1  }
0xc6: {  	_ =	sfence.sel $0xFFFF  }
0xc7: {  	[dreg:$0x0] =	wrdreg $0xFFFFFFFF;
	(pc) =	sbr.abs _section_cstart, $3  }
0xc8: {  	[dreg:$0x1] =	wrdreg $0xFFFFFFFF  }
0xc9: {  	_ =	task.clear_ibuf [dreg:s11], $0x2FFFF;
	_ =	strace $0x9FFFFFFF  }
0xca: {  	(tm) =	ssettm $0x7FFFFFFF  }
0xcb: {  	_ =	shalt  }
tec
execute0_lowered:
.L_overlay_start_1:
0x0: {  	(tag) =	ssettag $0x1  }
0x1: {  	s2 =	rddreg [dreg:$0x0]  }
0x2: {  	s0 =	srdreg.scid;
	s4 =	rddreg [dreg:$0x1]  }
0x3: {  	s1 =	stileid.u32;
	s5 =	rddreg [dreg:$0x4]  }
0x4: {  	s3 =	sand.u32 $0x1, s0;
	s23 =	sshll.u32 s1, $0x1;
	s15 =	smul.u32 $0x1880, s1  }
0x5: {  	s0 =	sor.u32 s3, s23;
	s6 =	ssub.s32 $0x2, s3;
	s3 =	smul.u32 $0xC40, s3  }
0x6: {  	s29 =	rddreg [dreg:$0x5];
	s0 =	smul.u32 $0xC40, s0  }
0x7: {  	s31 =	simm.s32 $0x11F00;
	s28 =	simm.s32 $0xAF00;
	s8 =	sshrl.u32 s6, $0x1  }
0x8: {  	s6 =	ssub.s32 s6, s8;
	s3 =	sadd.s32 s3, s15;
	s7 =	smin.u32 s0, $0x17A60  }
0x9: {  	s0 =	simm.s32 $0x0;
	s3 =	smin.u32 s3, $0x17A60;
	s9 =	sshrl.u32 s7, $0x3  }
0xa: {  	[smem:$0x7FF] =	sst s0;
	s7 =	sshll.u32 s7, $0x4;
	s24 =	sadd.s32 s2, s9  }
0xb: {  	s25 =	sadd.s32 s4, s9;
	s26 =	sadd.s32 $0xE, s9;
	[dreg:$0x7] =	wrdreg s24  }
0xc: {  	s22 =	sshrl.u32 s3, $0x3;
	[dreg:$0x8] =	wrdreg s25;
	s11 =	sadd.s32 s2, s26  }
0xd: {  	s10 =	sadd.s32 $0x1C, s9;
	s8 =	sadd.s32 s4, s26;
	[dreg:$0x9] =	wrdreg s11  }
0xe: {  	s3 =	sshll.u32 s3, $0x4;
	s12 =	sadd.s32 s2, s10;
	[dreg:$0xa] =	wrdreg s8  }
0xf: {  	s14 =	sadd.s32 $0x2A, s9;
	s13 =	sadd.s32 s4, s10;
	[dreg:$0xb] =	wrdreg s12  }
0x10: {  	s17 =	sadd.s32 $0x38, s9;
	s16 =	sadd.s32 s2, s14;
	[dreg:$0xc] =	wrdreg s13  }
0x11: {  	s19 =	sadd.s32 $0x46, s9;
	s18 =	sadd.s32 s2, s17;
	[dreg:$0xd] =	wrdreg s16  }
0x12: {  	s21 =	sadd.s32 $0x54, s9;
	s20 =	sadd.s32 s2, s19;
	[dreg:$0xf] =	wrdreg s18  }
0x13: {  	s23 =	sadd.s32 $0xB6, s22;
	s9 =	sadd.s32 s2, s21;
	[dreg:$0x11] =	wrdreg s20  }
0x14: {  	s7 =	sadd.s32 s5, s7;
	s24 =	sadd.s32 s23, s4;
	[dreg:$0x13] =	wrdreg s9  }
0x15: {  	s3 =	sadd.s32 s3, s5;
	s8 =	sadd.s32 s4, s14;
	[dreg:$0x15] =	wrdreg s24  }
0x16: {  	s25 =	sadd.s32 $0xA8, s22;
	s11 =	sadd.s32 s4, s17;
	[dreg:$0xe] =	wrdreg s8  }
0x17: {  	s26 =	sadd.s32 $0x9A, s22;
	s5 =	sadd.s32 s25, s2;
	[dreg:$0x10] =	wrdreg s11  }
0x18: {  	s30 =	simm.s32 $0xE700;
	s12 =	sadd.s32 s26, s4;
	[dreg:$0x18] =	wrdreg s5  }
0x19: {  	s15 =	sadd.s32 $0x7E, s22;
	s13 =	sadd.s32 s26, s2;
	[dreg:$0x19] =	wrdreg s12  }
0x1a: {  	p0 =	sne.s32 s1, $0x0;
	s17 =	sadd.s32 s15, s4;
	[dreg:$0x1a] =	wrdreg s13  }
0x1b: {  	s14 =	sadd.s32 $0x8C, s22;
	s18 =	sadd.s32 s15, s2;
	[dreg:$0x1d] =	wrdreg s17  }
0x1c: {  	s20 =	sadd.s32 $0x62, s22;
	s24 =	sadd.s32 $0xBD00, s7;
	[dreg:$0x1e] =	wrdreg s18  }
0x1d: {  	s8 =	sadd.s32 s4, s19;
	s11 =	sadd.s32 s25, s4;
	s25 =	rddreg [dreg:$0x2]  }
0x1e: {  	s26 =	sadd.s32 $0x2A00, s3;
	s15 =	simm.s32 $0x280;
	[dreg:$0x12] =	wrdreg s8  }
0x1f: {  	s3 =	simm.s32 $0x70;
	s16 =	sadd.s32 s14, s4;
	[dreg:$0x17] =	wrdreg s11  }
0x20: {  	s9 =	simm.s32 $0x4;
	s5 =	sadd.s32 s14, s2;
	[dreg:$0x1b] =	wrdreg s16  }
0x21: {  	s19 =	sadd.s32 $0x70, s22;
	s8 =	sadd.s32 s4, s21;
	[dreg:$0x1c] =	wrdreg s5  }
0x22: {  	s22 =	smax.u32 s6, $0x1;
	s21 =	sadd.s32 s19, s4;
	[dreg:$0x14] =	wrdreg s8  }
0x23: {  	s18 =	simm.s32 $0x300;
	s5 =	sadd.s32 s19, s2;
	[dreg:$0x1f] =	wrdreg s21  }
0x24: {  	s17 =	simm.s32 $0x6;
	s4 =	sadd.s32 s20, s4;
	[smem:$0x7F7] =	sst s5  }
0x25: {  	s14 =	simm.s32 $0x1A;
	s8 =	sadd.s32 s23, s2;
	[smem:$0x7F8] =	sst s4  }
0x26: {  	s16 =	simm.s32 $0x600;
	s2 =	sadd.s32 s20, s2;
	[dreg:$0x16] =	wrdreg s8  }
0x27: {  	s19 =	simm.s32 $0x680;
	s23 =	sadd.s32 $0xAF00, s7;
	[smem:$0x7F9] =	sst s2  }
.Ltmp0:
0x28: {  	_ =	strace $0x80000047;
	[smem:$0x7FA] =	sst s22;
	(pc) =	sbr.rel .LBB2_1-.Ltmp0, $4  }
0x29: {  	s11 =	simm.s32 $0x5;
	s20 =	simm.s32 $0x7700;
	[smem:$0x7FB] =	sst s23  }
0x2a: {  	s21 =	simm.s32 $0x7;
	s5 =	simm.s32 $0x0;
	[smem:$0x7FC] =	sst s24  }
0x2b: {  	s2 =	simm.s32 $0x19;
	[smem:$0x7FD] =	sst s26;
	s22 =	simm.s32 $0xAF00  }
0x2c: {  	s23 =	simm.s32 $0xE700;
	s24 =	simm.s32 $0x15700;
	s26 =	simm.s32 $0x15700  }
.LBB2_4:
0x2d: {  	s1 =	simm.s32 $0x15  }
0x2e: {  	_ =	swait.ge [sflag:s1], $0x3800  }
0x2f: {  	s18 =	sld [smem:$0x7FC]  }
0x30: {  	[sflag:s1] =	ssyncset.done $0x0  }
0x31: {  	s19 =	simm.s32 $0x16;
	[sflag:s1] =	ssyncadd.s32 $0xFFFFC800  }
0x32: {  	[hbm4b:s18+s0] =	stream.linear.scatter [tilespmem:s26], [sflag:$0x1C], $0x3800, $0x38;
	[tilespmem:$0x1AE40] =	vst v63  }
0x33: {  	_ =	swait.ge [sflag:s19], $0x3800  }
0x34: {  	[sflag:s19] =	ssyncset.done $0x0  }
0x35: {  	s20 =	simm.s32 $0x17;
	[sflag:s19] =	ssyncadd.s32 $0xFFFFC800  }
0x36: {  	_ =	swait.ge [sflag:s20], $0x3800  }
0x37: {  	[sflag:s20] =	ssyncset.done $0x0  }
0x38: {  	s22 =	simm.s32 $0x18;
	[sflag:s20] =	ssyncadd.s32 $0xFFFFC800  }
0x39: {  	_ =	swait.ge [sflag:s22], $0x3800  }
0x3a: {  	[sflag:s22] =	ssyncset.done $0x0  }
0x3b: {  	[sflag:s22] =	ssyncadd.s32 $0xFFFFC800  }
0x3c: {  	_ =	swait.ge [sflag:s2], $0x3800  }
0x3d: {  	[sflag:s2] =	ssyncset.done $0x0  }
0x3e: {  	[sflag:s2] =	ssyncadd.s32 $0xFFFFC800  }
0x3f: {  	_ =	swait.ge [sflag:s14], $0x3800  }
0x40: {  	[sflag:s14] =	ssyncset.done $0x0  }
0x41: {  	s23 =	simm.s32 $0x1B;
	[sflag:s14] =	ssyncadd.s32 $0xFFFFC800  }
0x42: {  	_ =	swait.ge [sflag:s23], $0x3800  }
0x43: {  	[sflag:s23] =	ssyncset.done $0x0  }
0x44: {  	s4 =	simm.s32 $0x1C;
	[sflag:s23] =	ssyncadd.s32 $0xFFFFC800  }
0x45: {  	_ =	swait.ge [sflag:s4], $0x3800  }
0x46: {  	s5 =	sld [smem:$0x7F6]  }
0x47: {  	s24 =	sld [smem:$0x7FA];
	_ =	sdelay $0x1  }
0x48: {  	s5 =	sadd.s32 $0x1, s5  }
0x49: {  	p1 =	sne.s32 s5, s24  }
.Ltmp1:
0x4a: {  	_ = 	snop;
	(pc) =	sbr.rel @!p1 .LBB2_5-.Ltmp1, $4  }
0x4b: {  	s15 =	simm.s32 $0x280  }
0x4c: {  	s16 =	simm.s32 $0x600;
	s18 =	simm.s32 $0x300;
	s19 =	simm.s32 $0x680  }
0x4d: {  	s20 =	simm.s32 $0x7700;
	s22 =	simm.s32 $0xAF00;
	[sflag:s4] =	ssyncset.done $0x0  }
0x4e: {  	s23 =	simm.s32 $0xE700;
	[sflag:s4] =	ssyncadd.s32 $0xFFFFC800;
	s24 =	simm.s32 $0x15700  }
.LBB2_1:
0x4f: {  	[smem:$0x7F6] =	sst s5  }
0x50: {  	s1 =	sshrl.u32 @!p0 s29, $0x3;
	s5 =	simm.s32 @!p0 $0x1C1D;
	s4 =	rddreg [dreg:$0x3]  }
0x51: {  	[spmem:s1], [sflag:s5] =	dma.local @!p0 [hbm:s4], $0x3E80  }
0x52: {  	s1 =	simm.s32 @!p0 $0x1D  }
0x53: {  	_ =	swait.ge @!p0 [sflag:s1], $0x3E80  }
0x54: {  	[sflag:s1] =	ssyncset.done @!p0 $0x0  }
0x55: {  	[sflag:s1] =	ssyncadd.s32 @!p0 $0xFFFFC180  }
0x56: {  	[bflag:$0x0] =	sbarrier.arrive $0xFFFF  }
0x57: {  	s4 =	rddreg [dreg:$0x7]  }
0x58: {  	[tilespmem:s0], [sflag:$0x1] =	stream.linear.gather [hbm4b:s4+s0], $0x70, $0x38;
	[tilespmem:$0x1AE40] =	vst v63  }
0x59: {  	s5 =	rddreg [dreg:$0x8];
	s4 =	simm.s32 $0x380  }
0x5a: {  	[tilespmem:s4], [sflag:$0x1] =	stream.linear.gather [hbm4b:s5+s0], $0x70, $0x38;
	[tilespmem:$0x1AE40] =	vst v63  }
0x5b: {  	s6 =	rddreg [dreg:$0x9];
	s5 =	simm.s32 $0x80  }
0x5c: {  	[tilespmem:s5], [sflag:$0x2] =	stream.linear.gather [hbm4b:s6+s0], $0x70, $0x38;
	[tilespmem:$0x1AE40] =	vst v63  }
0x5d: {  	s7 =	rddreg [dreg:$0xa];
	s6 =	simm.s32 $0x400  }
0x5e: {  	[tilespmem:s6], [sflag:$0x2] =	stream.linear.gather [hbm4b:s7+s0], $0x70, $0x38;
	[tilespmem:$0x1AE40] =	vst v63  }
0x5f: {  	s8 =	rddreg [dreg:$0xb];
	s7 =	simm.s32 $0x100  }
0x60: {  	[tilespmem:s7], [sflag:$0x3] =	stream.linear.gather [hbm4b:s8+s0], $0x70, $0x38;
	[tilespmem:$0x1AE40] =	vst v63  }
0x61: {  	s10 =	rddreg [dreg:$0xc];
	s8 =	simm.s32 $0x480  }
0x62: {  	[tilespmem:s8], [sflag:$0x3] =	stream.linear.gather [hbm4b:s10+s0], $0x70, $0x38;
	[tilespmem:$0x1AE40] =	vst v63  }
0x63: {  	s12 =	rddreg [dreg:$0xd];
	s10 =	simm.s32 $0x180  }
0x64: {  	[tilespmem:s10], [sflag:$0x4] =	stream.linear.gather [hbm4b:s12+s0], $0x70, $0x38;
	[tilespmem:$0x1AE40] =	vst v63  }
0x65: {  	s13 =	rddreg [dreg:$0xe];
	s12 =	simm.s32 $0x500  }
0x66: {  	[tilespmem:s12], [sflag:$0x4] =	stream.linear.gather [hbm4b:s13+s0], $0x70, $0x38;
	[tilespmem:$0x1AE40] =	vst v63  }
0x67: {  	s13 =	rddreg [dreg:$0xf];
	s12 =	simm.s32 $0x200  }
0x68: {  	[tilespmem:s12], [sflag:$0x5] =	stream.linear.gather [hbm4b:s13+s0], $0x70, $0x38;
	[tilespmem:$0x1AE40] =	vst v63  }
0x69: {  	s1 =	rddreg [dreg:$0x10];
	s13 =	simm.s32 $0x580  }
0x6a: {  	[tilespmem:s13], [sflag:$0x5] =	stream.linear.gather [hbm4b:s1+s0], $0x70, $0x38;
	[tilespmem:$0x1AE40] =	vst v63  }
0x6b: {  	s13 =	rddreg [dreg:$0x11]  }
0x6c: {  	[tilespmem:s15], [sflag:$0x6] =	stream.linear.gather [hbm4b:s13+s0], $0x70, $0x38;
	[tilespmem:$0x1AE40] =	vst v63  }
0x6d: {  	s13 =	rddreg [dreg:$0x12]  }
0x6e: {  	[tilespmem:s16], [sflag:$0x6] =	stream.linear.gather [hbm4b:s13+s0], $0x70, $0x38;
	[tilespmem:$0x1AE40] =	vst v63  }
0x6f: {  	s13 =	rddreg [dreg:$0x13]  }
0x70: {  	[tilespmem:s18], [sflag:$0x7] =	stream.linear.gather [hbm4b:s13+s0], $0x70, $0x38;
	[tilespmem:$0x1AE40] =	vst v63  }
0x71: {  	s13 =	rddreg [dreg:$0x14]  }
0x72: {  	[tilespmem:s19], [sflag:$0x7] =	stream.linear.gather [hbm4b:s13+s0], $0x70, $0x38;
	[tilespmem:$0x1AE40] =	vst v63  }
0x73: {  	s13 =	simm.s32 $0x1  }
0x74: {  	_ =	swait.ge [sflag:s13], $0x70  }
0x75: {  	[sflag:s13] =	ssyncset.done $0x0  }
0x76: {  	[sflag:s13] =	ssyncadd.s32 $0xFFFFFF90  }
0x77: {  	_ =	swait.ge [sflag:s13], $0x70  }
0x78: {  	[sflag:s13] =	ssyncset.done $0x0  }
0x79: {  	s1 =	simm.s32 $0x700;
	[sflag:s13] =	ssyncadd.s32 $0xFFFFFF90;
	s13 =	simm.s32 $0x2  }
0x7a: {  	[tilespmem:s1], [sflag:$0x8] =	stream.indirect.gather [hbm4b:s25+s3], $0x80, s0, s3, $0xb8;
	[tilespmem:$0x1AE40] =	vst v63  }
0x7b: {  	_ =	swait.ge [sflag:s13], $0x70  }
0x7c: {  	[sflag:s13] =	ssyncset.done $0x0  }
0x7d: {  	[sflag:s13] =	ssyncadd.s32 $0xFFFFFF90  }
0x7e: {  	_ =	swait.ge [sflag:s13], $0x70  }
0x7f: {  	[sflag:s13] =	ssyncset.done $0x0  }
0x80: {  	[sflag:s13] =	ssyncadd.s32 $0xFFFFFF90;
	s13 =	simm.s32 $0x3F00  }
0x81: {  	[tilespmem:s13], [sflag:$0x9] =	stream.indirect.gather [hbm4b:s25+s3], $0x80, s5, s3, $0xb8;
	[tilespmem:$0x1AE40] =	vst v63  }
0x82: {  	s5 =	simm.s32 $0x3  }
0x83: {  	_ =	swait.ge [sflag:s5], $0x70  }
0x84: {  	[sflag:s5] =	ssyncset.done $0x0  }
0x85: {  	[sflag:s5] =	ssyncadd.s32 $0xFFFFFF90  }
0x86: {  	_ =	swait.ge [sflag:s5], $0x70  }
0x87: {  	[sflag:s5] =	ssyncset.done $0x0  }
0x88: {  	[sflag:s5] =	ssyncadd.s32 $0xFFFFFF90  }
0x89: {  	[tilespmem:s20], [sflag:$0xA] =	stream.indirect.gather [hbm4b:s25+s3], $0x80, s7, s3, $0xb8;
	[tilespmem:$0x1AE40] =	vst v63  }
0x8a: {  	_ =	swait.ge [sflag:s9], $0x70  }
0x8b: {  	[sflag:s9] =	ssyncset.done $0x0  }
0x8c: {  	[sflag:s9] =	ssyncadd.s32 $0xFFFFFF90  }
0x8d: {  	_ =	swait.ge [sflag:s9], $0x70  }
0x8e: {  	[sflag:s9] =	ssyncset.done $0x0  }
0x8f: {  	[sflag:s9] =	ssyncadd.s32 $0xFFFFFF90  }
0x90: {  	[tilespmem:s22], [sflag:$0xB] =	stream.indirect.gather [hbm4b:s25+s3], $0x80, s10, s3, $0xb8;
	[tilespmem:$0x1AE40] =	vst v63  }
0x91: {  	_ =	swait.ge [sflag:s11], $0x70  }
0x92: {  	[sflag:s11] =	ssyncset.done $0x0  }
0x93: {  	[sflag:s11] =	ssyncadd.s32 $0xFFFFFF90  }
0x94: {  	_ =	swait.ge [sflag:s11], $0x70  }
0x95: {  	[sflag:s11] =	ssyncset.done $0x0  }
0x96: {  	s7 =	simm.s32 $0x8;
	[sflag:s11] =	ssyncadd.s32 $0xFFFFFF90  }
0x97: {  	[tilespmem:s23], [sflag:$0xC] =	stream.indirect.gather [hbm4b:s25+s3], $0x80, s12, s3, $0xb8;
	[tilespmem:$0x1AE40] =	vst v63  }
0x98: {  	_ =	swait.ge [sflag:s7], $0x3800  }
0x99: {  	[sflag:s7] =	ssyncset.done $0x0  }
0x9a: {  	s10 =	simm.s32 $0x9;
	[sflag:s7] =	ssyncadd.s32 $0xFFFFC800  }
0x9b: {  	[tilespmem:s1], [sflag:$0xF] =	stream.indirect.gather.add.f32 [spmem:s29], $0x80, s4, s3, $0xb8;
	[tilespmem:$0x1AE40] =	vst v63  }
0x9c: {  	_ =	swait.ge [sflag:s10], $0x3800  }
0x9d: {  	[sflag:s10] =	ssyncset.done $0x0  }
0x9e: {  	s12 =	simm.s32 $0xA;
	[sflag:s10] =	ssyncadd.s32 $0xFFFFC800  }
0x9f: {  	[tilespmem:s13], [sflag:$0x10] =	stream.indirect.gather.add.f32 [spmem:s29], $0x80, s6, s3, $0xb8;
	[tilespmem:$0x1AE40] =	vst v63  }
0xa0: {  	_ =	swait.ge [sflag:s12], $0x3800  }
0xa1: {  	[sflag:s12] =	ssyncset.done $0x0  }
0xa2: {  	s6 =	simm.s32 $0x0;
	s5 =	sld [smem:$0x7FD];
	[sflag:s12] =	ssyncadd.s32 $0xFFFFC800  }
0xa3: {  	[tilespmem:s20], [sflag:$0x11] =	stream.indirect.gather.add.f32 [spmem:s29], $0x80, s8, s3, $0xb8;
	[tilespmem:$0x1AE40] =	vst v63  }
.LBB2_2:
0xa4: {  	s1 =	simm.s32 $0xF  }
0xa5: {  	_ =	swait.ge [sflag:s1], $0x3800  }
0xa6: {  	s4 =	simm.s32 $0x700;
	[sflag:s1] =	ssyncset.done $0x0  }
0xa7: {  	s7 =	simm.s32 $0xB;
	s12 =	sadd.s32 $0xFFFFD600, s5;
	[sflag:s1] =	ssyncadd.s32 $0xFFFFC800  }
0xa8: {  	[hbm4b:s12+s0] =	stream.linear.scatter [tilespmem:s4], [sflag:$0x16], $0x3800, $0x38;
	[tilespmem:$0x1AE40] =	vst v63  }
0xa9: {  	_ =	swait.ge [sflag:s7], $0x3800  }
0xaa: {  	p2 =	seq.s32 s6, $0x0;
	[sflag:s7] =	ssyncset.done $0x0  }
0xab: {  	s8 =	simm.s32 $0x500;
	s1 =	simm.s32 @!p2 $0x1B;
	[sflag:s7] =	ssyncadd.s32 $0xFFFFC800  }
0xac: {  	[tilespmem:s22], [sflag:$0x12] =	stream.indirect.gather.add.f32 [spmem:s29], $0x80, s8, s3, $0xb8;
	[tilespmem:$0x1AE40] =	vst v63  }
0xad: {  	_ =	swait.ge @!p2 [sflag:s1], $0x3800  }
0xae: {  	[sflag:s1] =	ssyncset.done @!p2 $0x0  }
0xaf: {  	[sflag:s1] =	ssyncadd.s32 @!p2 $0xFFFFC800  }
0xb0: {  	_ =	swait.ge [sflag:s17], $0x70  }
0xb1: {  	[sflag:s17] =	ssyncset.done $0x0  }
0xb2: {  	[sflag:s17] =	ssyncadd.s32 $0xFFFFFF90  }
0xb3: {  	_ =	swait.ge [sflag:s17], $0x70  }
0xb4: {  	[sflag:s17] =	ssyncset.done $0x0;
	s1 =	sld [smem:$0x7F9]  }
0xb5: {  	p1 =	seq.s32 s6, $0x126;
	s4 =	sld [smem:$0x7F8];
	[sflag:s17] =	ssyncadd.s32 $0xFFFFFF90  }
0xb6: {  	[tilespmem:s31], [sflag:$0xD] =	stream.indirect.gather [hbm4b:s25+s3], $0x80, s15, s3, $0xb8;
	[tilespmem:$0x1AE40] =	vst v63  }
0xb7: {  	s7 =	sadd.s32 @!p1 s6, s1;
	s1 =	simm.s32 @!p1 $0x0  }
0xb8: {  	[tilespmem:s1], [sflag:$0x1] =	stream.linear.gather @!p1 [hbm4b:s7+s1], $0x70, $0x38;
	[tilespmem:$0x1AE40] =	vst v63  }
0xb9: {  	s10 =	simm.s32 $0x10;
	s8 =	simm.s32 @!p1 $0x380;
	s7 =	sadd.s32 @!p1 s6, s4  }
0xba: {  	[tilespmem:s8], [sflag:$0x1] =	stream.linear.gather @!p1 [hbm4b:s7+s1], $0x70, $0x38;
	[tilespmem:$0x1AE40] =	vst v63  }
0xbb: {  	_ =	swait.ge [sflag:s10], $0x3800  }
0xbc: {  	[sflag:s10] =	ssyncset.done $0x0  }
0xbd: {  	s12 =	sadd.s32 $0xFFFFDD00, s5;
	s15 =	simm.s32 $0xC;
	[sflag:s10] =	ssyncadd.s32 $0xFFFFC800  }
0xbe: {  	[hbm4b:s12+s0] =	stream.linear.scatter [tilespmem:s13], [sflag:$0x17], $0x3800, $0x38;
	[tilespmem:$0x1AE40] =	vst v63  }
0xbf: {  	_ =	swait.ge [sflag:s15], $0x3800  }
0xc0: {  	[sflag:s15] =	ssyncset.done $0x0  }
0xc1: {  	s22 =	simm.s32 $0x580;
	s7 =	simm.s32 @!p2 $0x1C;
	[sflag:s15] =	ssyncadd.s32 $0xFFFFC800  }
0xc2: {  	[tilespmem:s23], [sflag:$0x13] =	stream.indirect.gather.add.f32 [spmem:s29], $0x80, s22, s3, $0xb8;
	[tilespmem:$0x1AE40] =	vst v63  }
0xc3: {  	_ =	swait.ge @!p2 [sflag:s7], $0x3800  }
0xc4: {  	[sflag:s7] =	ssyncset.done @!p2 $0x0  }
0xc5: {  	[sflag:s7] =	ssyncadd.s32 @!p2 $0xFFFFC800  }
0xc6: {  	_ =	swait.ge [sflag:s21], $0x70  }
0xc7: {  	[sflag:s21] =	ssyncset.done $0x0  }
0xc8: {  	[sflag:s21] =	ssyncadd.s32 $0xFFFFFF90  }
0xc9: {  	_ =	swait.ge [sflag:s21], $0x70  }
0xca: {  	[sflag:s21] =	ssyncset.done $0x0;
	s4 =	sld [smem:$0x7F7]  }
0xcb: {  	[sflag:s21] =	ssyncadd.s32 $0xFFFFFF90  }
0xcc: {  	[tilespmem:s24], [sflag:$0xE] =	stream.indirect.gather [hbm4b:s25+s3], $0x80, s18, s3, $0xb8;
	[tilespmem:$0x1AE40] =	vst v63  }
0xcd: {  	s10 =	simm.s32 @!p1 $0x80;
	s7 =	sadd.s32 @!p1 s6, s4;
	s4 =	rddreg [dreg:$0x1f]  }
0xce: {  	[tilespmem:s10], [sflag:$0x2] =	stream.linear.gather @!p1 [hbm4b:s7+s1], $0x70, $0x38;
	[tilespmem:$0x1AE40] =	vst v63  }
0xcf: {  	s12 =	simm.s32 @!p1 $0x400;
	s7 =	sadd.s32 @!p1 s6, s4  }
0xd0: {  	[tilespmem:s12], [sflag:$0x2] =	stream.linear.gather @!p1 [hbm4b:s7+s1], $0x70, $0x38;
	[tilespmem:$0x1AE40] =	vst v63  }
0xd1: {  	s7 =	simm.s32 $0x11  }
0xd2: {  	_ =	swait.ge [sflag:s7], $0x3800  }
0xd3: {  	[sflag:s7] =	ssyncset.done $0x0  }
0xd4: {  	s13 =	simm.s32 $0xD;
	s12 =	sadd.s32 $0xFFFFE400, s5;
	[sflag:s7] =	ssyncadd.s32 $0xFFFFC800  }
0xd5: {  	[hbm4b:s12+s0] =	stream.linear.scatter [tilespmem:s20], [sflag:$0x18], $0x3800, $0x38;
	[tilespmem:$0x1AE40] =	vst v63  }
0xd6: {  	_ =	swait.ge [sflag:s13], $0x3800  }
0xd7: {  	[sflag:s13] =	ssyncset.done $0x0  }
0xd8: {  	s7 =	simm.s32 @!p1 $0x16;
	[sflag:s13] =	ssyncadd.s32 $0xFFFFC800  }
0xd9: {  	[tilespmem:s31], [sflag:$0x14] =	stream.indirect.gather.add.f32 [spmem:s29], $0x80, s16, s3, $0xb8;
	[tilespmem:$0x1AE40] =	vst v63  }
0xda: {  	_ =	swait.ge @!p1 [sflag:s7], $0x3800  }
0xdb: {  	[sflag:s7] =	ssyncset.done @!p1 $0x0  }
0xdc: {  	[sflag:s7] =	ssyncadd.s32 @!p1 $0xFFFFC800;
	s7 =	simm.s32 @!p1 $0x1  }
0xdd: {  	_ =	swait.ge @!p1 [sflag:s7], $0x70  }
0xde: {  	[sflag:s7] =	ssyncset.done @!p1 $0x0  }
0xdf: {  	[sflag:s7] =	ssyncadd.s32 @!p1 $0xFFFFFF90  }
0xe0: {  	_ =	swait.ge @!p1 [sflag:s7], $0x70  }
0xe1: {  	s12 =	simm.s32 @!p1 $0x70;
	[sflag:s7] =	ssyncset.done @!p1 $0x0  }
0xe2: {  	s13 =	simm.s32 @!p1 $0x700;
	s4 =	rddreg [dreg:$0x1e];
	[sflag:s7] =	ssyncadd.s32 @!p1 $0xFFFFFF90  }
0xe3: {  	[tilespmem:s13], [sflag:$0x8] =	stream.indirect.gather @!p1 [hbm4b:s25+s12], $0x80, s1, s12, $0xb8;
	[tilespmem:$0x1AE40] =	vst v63  }
0xe4: {  	s4 =	sadd.s32 @!p1 s6, s4;
	s7 =	simm.s32 @!p1 $0x100  }
0xe5: {  	[tilespmem:s7], [sflag:$0x3] =	stream.linear.gather @!p1 [hbm4b:s4+s1], $0x70, $0x38;
	[tilespmem:$0x1AE40] =	vst v63  }
0xe6: {  	s4 =	rddreg [dreg:$0x1d]  }
0xe7: {  	s15 =	simm.s32 @!p1 $0x480;
	s4 =	sadd.s32 @!p1 s6, s4  }
0xe8: {  	[tilespmem:s15], [sflag:$0x3] =	stream.linear.gather @!p1 [hbm4b:s4+s1], $0x70, $0x38;
	[tilespmem:$0x1AE40] =	vst v63  }
0xe9: {  	s15 =	simm.s32 $0x12  }
0xea: {  	_ =	swait.ge [sflag:s15], $0x3800  }
0xeb: {  	[sflag:s15] =	ssyncset.done $0x0  }
0xec: {  	s22 =	simm.s32 $0xE;
	s16 =	sadd.s32 $0xFFFFEB00, s5;
	[sflag:s15] =	ssyncadd.s32 $0xFFFFC800  }
0xed: {  	[hbm4b:s16+s0] =	stream.linear.scatter [tilespmem:s28], [sflag:$0x19], $0x3800, $0x38;
	[tilespmem:$0x1AE40] =	vst v63  }
0xee: {  	_ =	swait.ge [sflag:s22], $0x3800  }
0xef: {  	[sflag:s22] =	ssyncset.done $0x0  }
0xf0: {  	s4 =	simm.s32 @p1 $0x13;
	[sflag:s22] =	ssyncadd.s32 $0xFFFFC800  }
0xf1: {  	[tilespmem:s26], [sflag:$0x15] =	stream.indirect.gather.add.f32 [spmem:s29], $0x80, s19, s3, $0xb8;
	[tilespmem:$0x1AE40] =	vst v63  }
0xf2: {  	_ =	swait.ge @p1 [sflag:s4], $0x3800  }
0xf3: {  	s16 =	sld [smem:$0x7FB]  }
0xf4: {  	[sflag:s4] =	ssyncset.done @p1 $0x0  }
0xf5: {  	s15 =	simm.s32 @p1 $0xE700;
	[sflag:s4] =	ssyncadd.s32 @p1 $0xFFFFC800;
	s4 =	simm.s32 @p1 $0x0  }
0xf6: {  	[hbm4b:s16+s4] =	stream.linear.scatter @p1 [tilespmem:s15], [sflag:$0x1A], $0x3800, $0x38;
	[tilespmem:$0x1AE40] =	vst v63  }
0xf7: {  	s4 =	simm.s32 @!p1 $0x17  }
0xf8: {  	_ =	swait.ge @!p1 [sflag:s4], $0x3800  }
0xf9: {  	[sflag:s4] =	ssyncset.done @!p1 $0x0  }
0xfa: {  	[sflag:s4] =	ssyncadd.s32 @!p1 $0xFFFFC800;
	s4 =	simm.s32 @!p1 $0x2  }
0xfb: {  	_ =	swait.ge @!p1 [sflag:s4], $0x70  }
0xfc: {  	[sflag:s4] =	ssyncset.done @!p1 $0x0  }
0xfd: {  	[sflag:s4] =	ssyncadd.s32 @!p1 $0xFFFFFF90  }
0xfe: {  	_ =	swait.ge @!p1 [sflag:s4], $0x70  }
0xff: {  	[sflag:s4] =	ssyncset.done @!p1 $0x0  }
0x100: {  	[sflag:s4] =	ssyncadd.s32 @!p1 $0xFFFFFF90;
	s4 =	simm.s32 @!p1 $0x3F00  }
0x101: {  	[tilespmem:s4], [sflag:$0x9] =	stream.indirect.gather @!p1 [hbm4b:s25+s12], $0x80, s10, s12, $0xb8;
	[tilespmem:$0x1AE40] =	vst v63  }
0x102: {  	s4 =	rddreg [dreg:$0x1c]  }
0x103: {  	s10 =	simm.s32 @!p1 $0x180;
	s4 =	sadd.s32 @!p1 s6, s4  }
0x104: {  	[tilespmem:s10], [sflag:$0x4] =	stream.linear.gather @!p1 [hbm4b:s4+s1], $0x70, $0x38;
	[tilespmem:$0x1AE40] =	vst v63  }
0x105: {  	s4 =	rddreg [dreg:$0x1b]  }
0x106: {  	s10 =	simm.s32 @!p1 $0x500;
	s4 =	sadd.s32 @!p1 s6, s4  }
0x107: {  	[tilespmem:s10], [sflag:$0x4] =	stream.linear.gather @!p1 [hbm4b:s4+s1], $0x70, $0x38;
	[tilespmem:$0x1AE40] =	vst v63  }
0x108: {  	s4 =	simm.s32 @!p1 $0x13  }
0x109: {  	_ =	swait.ge @!p1 [sflag:s4], $0x3800  }
0x10a: {  	[sflag:s4] =	ssyncset.done @!p1 $0x0  }
0x10b: {  	s10 =	simm.s32 @!p1 $0xE700;
	[sflag:s4] =	ssyncadd.s32 @!p1 $0xFFFFC800;
	s4 =	sadd.s32 @!p1 $0xFFFFF200, s5  }
0x10c: {  	[hbm4b:s4+s1] =	stream.linear.scatter @!p1 [tilespmem:s10], [sflag:$0x1A], $0x3800, $0x38;
	[tilespmem:$0x1AE40] =	vst v63  }
0x10d: {  	s4 =	simm.s32 @!p1 $0x8  }
0x10e: {  	_ =	swait.ge @!p1 [sflag:s4], $0x3800  }
0x10f: {  	[sflag:s4] =	ssyncset.done @!p1 $0x0  }
0x110: {  	[sflag:s4] =	ssyncadd.s32 @!p1 $0xFFFFC800;
	s4 =	simm.s32 @!p1 $0x18  }
0x111: {  	[tilespmem:s13], [sflag:$0xF] =	stream.indirect.gather.add.f32 @!p1 [spmem:s29], $0x80, s8, s12, $0xb8;
	[tilespmem:$0x1AE40] =	vst v63  }
0x112: {  	_ =	swait.ge @!p1 [sflag:s4], $0x3800  }
0x113: {  	[sflag:s4] =	ssyncset.done @!p1 $0x0  }
0x114: {  	[sflag:s4] =	ssyncadd.s32 @!p1 $0xFFFFC800;
	s4 =	simm.s32 @!p1 $0x3  }
0x115: {  	_ =	swait.ge @!p1 [sflag:s4], $0x70  }
0x116: {  	[sflag:s4] =	ssyncset.done @!p1 $0x0  }
0x117: {  	[sflag:s4] =	ssyncadd.s32 @!p1 $0xFFFFFF90  }
0x118: {  	_ =	swait.ge @!p1 [sflag:s4], $0x70  }
0x119: {  	[sflag:s4] =	ssyncset.done @!p1 $0x0  }
0x11a: {  	[sflag:s4] =	ssyncadd.s32 @!p1 $0xFFFFFF90;
	s4 =	simm.s32 @!p1 $0x7700  }
0x11b: {  	[tilespmem:s4], [sflag:$0xA] =	stream.indirect.gather @!p1 [hbm4b:s25+s12], $0x80, s7, s12, $0xb8;
	[tilespmem:$0x1AE40] =	vst v63  }
0x11c: {  	s4 =	rddreg [dreg:$0x1a]  }
0x11d: {  	s7 =	simm.s32 @!p1 $0x200;
	s4 =	sadd.s32 @!p1 s6, s4  }
0x11e: {  	[tilespmem:s7], [sflag:$0x5] =	stream.linear.gather @!p1 [hbm4b:s4+s1], $0x70, $0x38;
	[tilespmem:$0x1AE40] =	vst v63  }
0x11f: {  	s4 =	rddreg [dreg:$0x19]  }
0x120: {  	s7 =	simm.s32 @!p1 $0x580;
	s4 =	sadd.s32 @!p1 s6, s4  }
0x121: {  	[tilespmem:s7], [sflag:$0x5] =	stream.linear.gather @!p1 [hbm4b:s4+s1], $0x70, $0x38;
	[tilespmem:$0x1AE40] =	vst v63  }
.Ltmp2:
0x122: {  	s23 =	simm.s32 $0x3F00;
	s15 =	simm.s32 $0x14;
	(pc) =	sbr.rel @p1 .LBB2_4-.Ltmp2, $4  }
0x123: {  	s24 =	simm.s32 $0x7700;
	s18 =	simm.s32 $0x280;
	_ =	swait.ge [sflag:s15], $0x3800  }
0x124: {  	s20 =	simm.s32 $0x300;
	s22 =	simm.s32 $0x680;
	[sflag:s15] =	ssyncset.done $0x0  }
0x125: {  	s19 =	simm.s32 $0x600;
	s16 =	sadd.s32 $0xFFFFF900, s5;
	[sflag:s15] =	ssyncadd.s32 $0xFFFFC800  }
0x126: {  	[hbm4b:s16+s0] =	stream.linear.scatter [tilespmem:s31], [sflag:$0x1B], $0x3800, $0x38;
	[tilespmem:$0x1AE40] =	vst v63  }
0x127: {  	s1 =	simm.s32 $0x9  }
0x128: {  	_ =	swait.ge [sflag:s1], $0x3800  }
0x129: {  	[sflag:s1] =	ssyncset.done $0x0  }
0x12a: {  	s8 =	simm.s32 $0x400;
	[sflag:s1] =	ssyncadd.s32 $0xFFFFC800  }
0x12b: {  	[tilespmem:s23], [sflag:$0x10] =	stream.indirect.gather.add.f32 [spmem:s29], $0x80, s8, s3, $0xb8;
	[tilespmem:$0x1AE40] =	vst v63  }
0x12c: {  	_ =	swait.ge [sflag:s2], $0x3800  }
0x12d: {  	[sflag:s2] =	ssyncset.done $0x0  }
0x12e: {  	[sflag:s2] =	ssyncadd.s32 $0xFFFFC800  }
0x12f: {  	_ =	swait.ge [sflag:s9], $0x70  }
0x130: {  	[sflag:s9] =	ssyncset.done $0x0  }
0x131: {  	[sflag:s9] =	ssyncadd.s32 $0xFFFFFF90  }
0x132: {  	_ =	swait.ge [sflag:s9], $0x70  }
0x133: {  	[sflag:s9] =	ssyncset.done $0x0  }
0x134: {  	s10 =	simm.s32 $0x180;
	s12 =	rddreg [dreg:$0x18];
	[sflag:s9] =	ssyncadd.s32 $0xFFFFFF90  }
0x135: {  	[tilespmem:s28], [sflag:$0xB] =	stream.indirect.gather [hbm4b:s25+s3], $0x80, s10, s3, $0xb8;
	[tilespmem:$0x1AE40] =	vst v63  }
0x136: {  	s13 =	rddreg [dreg:$0x17];
	s1 =	sadd.s32 s6, s12  }
0x137: {  	[tilespmem:s18], [sflag:$0x6] =	stream.linear.gather [hbm4b:s1+s0], $0x70, $0x38;
	[tilespmem:$0x1AE40] =	vst v63  }
0x138: {  	s15 =	simm.s32 $0x15;
	s1 =	sadd.s32 s6, s13  }
0x139: {  	[tilespmem:s19], [sflag:$0x6] =	stream.linear.gather [hbm4b:s1+s0], $0x70, $0x38;
	[tilespmem:$0x1AE40] =	vst v63  }
0x13a: {  	_ =	swait.ge [sflag:s15], $0x3800  }
0x13b: {  	[sflag:s15] =	ssyncset.done $0x0  }
0x13c: {  	s16 =	simm.s32 $0xA;
	[sflag:s15] =	ssyncadd.s32 $0xFFFFC800  }
0x13d: {  	[hbm4b:s5+s0] =	stream.linear.scatter [tilespmem:s26], [sflag:$0x1C], $0x3800, $0x38;
	[tilespmem:$0x1AE40] =	vst v63  }
0x13e: {  	_ =	swait.ge [sflag:s16], $0x3800  }
0x13f: {  	[sflag:s16] =	ssyncset.done $0x0  }
0x140: {  	s18 =	simm.s32 $0x480;
	[sflag:s16] =	ssyncadd.s32 $0xFFFFC800  }
0x141: {  	[tilespmem:s24], [sflag:$0x11] =	stream.indirect.gather.add.f32 [spmem:s29], $0x80, s18, s3, $0xb8;
	[tilespmem:$0x1AE40] =	vst v63  }
0x142: {  	_ =	swait.ge [sflag:s14], $0x3800  }
0x143: {  	[sflag:s14] =	ssyncset.done $0x0  }
0x144: {  	[sflag:s14] =	ssyncadd.s32 $0xFFFFC800  }
0x145: {  	_ =	swait.ge [sflag:s11], $0x70  }
0x146: {  	[sflag:s11] =	ssyncset.done $0x0  }
0x147: {  	s13 =	simm.s32 $0x3F00;
	s19 =	simm.s32 $0x200;
	[sflag:s11] =	ssyncadd.s32 $0xFFFFFF90  }
0x148: {  	s15 =	simm.s32 $0x280;
	s5 =	sadd.s32 $0x3100, s5;
	_ =	swait.ge [sflag:s11], $0x70  }
0x149: {  	s16 =	simm.s32 $0x600;
	[sflag:s11] =	ssyncset.done $0x0;
	s23 =	rddreg [dreg:$0x16]  }
0x14a: {  	s18 =	simm.s32 $0x300;
	s24 =	rddreg [dreg:$0x15];
	[sflag:s11] =	ssyncadd.s32 $0xFFFFFF90  }
0x14b: {  	[tilespmem:s30], [sflag:$0xC] =	stream.indirect.gather [hbm4b:s25+s3], $0x80, s19, s3, $0xb8;
	[tilespmem:$0x1AE40] =	vst v63  }
.Ltmp3:
0x14c: {  	s1 =	sadd.s32 s6, s23;
	s23 =	simm.s32 $0xE700;
	(pc) =	sbr.rel .LBB2_2-.Ltmp3, $4  }
0x14d: {  	[tilespmem:s20], [sflag:$0x7] =	stream.linear.gather [hbm4b:s1+s0], $0x70, $0x38;
	[tilespmem:$0x1AE40] =	vst v63  }
0x14e: {  	s19 =	simm.s32 $0x680;
	s1 =	sadd.s32 s6, s24;
	s6 =	sadd.s32 $0x62, s6  }
0x14f: {  	[tilespmem:s22], [sflag:$0x7] =	stream.linear.gather [hbm4b:s1+s0], $0x70, $0x38;
	[tilespmem:$0x1AE40] =	vst v63  }
0x150: {  	s20 =	simm.s32 $0x7700;
	s24 =	simm.s32 $0x15700;
	s22 =	simm.s32 $0xAF00  }
.LBB2_5:
0x151: {  	_ =	sfence.sel $0x180000  }
0x152: {  	[bflag:$0x0] =	sbarrier.arrive $0xFFFF  }
0x153: {  	_ =	strace $0x90000047  }
0x154: {  	[bflag:$0x2] =	sbarrier.arrive $0xFFFF  }
0x155: {  	s0 =	rddreg [dreg:$0x6]  }
0x156: {  	s0 =	sadd.s32 @!p0 $0x100000, s0  }
0x157: {  	[sflag:s0] =	ssyncadd.tile.s32 @!p0 $0x1;
	_ =	shalt  }
.Lfunc_end2:
_tile_overlayer_lowered:
.L_overlay_start_2:
0x158: {  	(tag) =	ssettag $0x2  }
0x159: {  	s0 =	rddreg [dreg:$0x0];
	s2 =	stileid.u32  }
0x15a: {  	s1 =	rddreg [dreg:$0x1];
	p0 =	sne.s32 s2, $0x0  }
0x15b: {  	s3 =	rddreg [dreg:$0x2];
	[bflag:$0x3] =	sbarrier.arrive $0xFFFF;
	s2 =	simm.s32 @!p0 $0x1C1D  }
0x15c: {  	[timem:s3], [sflag:s2] =	dma.local @!p0 [hbm:s0], s1  }
0x15d: {  	s0 =	simm.s32 @!p0 $0x1D  }
0x15e: {  	_ =	swait.ge @!p0 [sflag:s0], s1  }
0x15f: {  	s1 =	ssub.s32 @!p0 $0x0, s1;
	[sflag:s0] =	ssyncset.done @!p0 $0x0  }
0x160: {  	[sflag:s0] =	ssyncadd.s32 @!p0 s1  }
0x161: {  	[bflag:$0x3] =	sbarrier.arrive $0xFFFF  }
0x162: {  	_ =	shalt  }

</sc_bundles>
